<compile_context>
chip_gen: v7x
topology: tpu7x:2x2x1
jax: 0.10.2.dev20260603
libtpu: 0.0.44.dev20260713+nightly
codegen_flags: <defaults>
</compile_context>

<pallas_src>
import functools

import jax
import jax.numpy as jnp
from jax import lax
from jax.experimental import pallas as pl
from jax.experimental.pallas import tpu as pltpu
from jax.experimental.pallas import tpu_sc as plsc

_B = 16384
_DIM = 32
_NC = 2
_NS = 16
_NW = _NC * _NS
_BPW = _B // _NW
_CH = 128
_NCH = _BPW // _CH


def _body(user_idx, item_idx, time_idx, su, si, st,
          ut, it, tt, out,
          uiv, iiv, tiv, suv, siv, stv, rows, sem):
    wid = lax.axis_index("s") * _NC + lax.axis_index("c")
    base = wid * _BPW

    pltpu.sync_copy(user_idx.at[pl.ds(base, _BPW)], uiv)
    pltpu.sync_copy(item_idx.at[pl.ds(base, _BPW)], iiv)
    pltpu.sync_copy(time_idx.at[pl.ds(base, _BPW)], tiv)
    for j in range(_NCH):
        pltpu.sync_copy(su.at[pl.ds(base + j * _CH, _CH)], suv.at[j])
        pltpu.sync_copy(si.at[pl.ds(base + j * _CH, _CH)], siv.at[j])
        pltpu.sync_copy(st.at[pl.ds(base + j * _CH, _CH)], stv.at[j])

    waits = []
    for j in range(_NCH):
        waits.append(pltpu.async_copy(
            ut.at[uiv.at[pl.ds(j * _CH, _CH)]], rows.at[0, j], sem))
        waits.append(pltpu.async_copy(
            it.at[iiv.at[pl.ds(j * _CH, _CH)]], rows.at[1, j], sem))
        waits.append(pltpu.async_copy(
            tt.at[tiv.at[pl.ds(j * _CH, _CH)]], rows.at[2, j], sem))
    for w in waits:
        w.wait()

    for j in range(_NCH):
        pltpu.sync_copy(rows.at[0, j], out.at[suv.at[j]])
        pltpu.sync_copy(rows.at[1, j], out.at[siv.at[j]])
        pltpu.sync_copy(rows.at[2, j], out.at[stv.at[j]])


_emb_call = functools.partial(
    pl.kernel,
    out_type=jax.ShapeDtypeStruct((3 * _B, _DIM), jnp.float32),
    mesh=plsc.VectorSubcoreMesh(core_axis_name="c", subcore_axis_name="s"),
    scratch_types=[
        pltpu.VMEM((_BPW,), jnp.int32),
        pltpu.VMEM((_BPW,), jnp.int32),
        pltpu.VMEM((_BPW,), jnp.int32),
        pltpu.VMEM((_NCH, _CH), jnp.int32),
        pltpu.VMEM((_NCH, _CH), jnp.int32),
        pltpu.VMEM((_NCH, _CH), jnp.int32),
        pltpu.VMEM((3, _NCH, _CH, _DIM), jnp.float32),
        pltpu.SemaphoreType.DMA,
    ],
    compiler_params=pltpu.CompilerParams(use_tc_tiling_on_sc=False),
)(_body)


@jax.jit
def kernel(user_idx, item_idx, time_idx, user_table, item_table, time_table):
    scatter_base = jnp.arange(_B, dtype=jnp.int32) * 3
    out = _emb_call(user_idx, item_idx, time_idx,
                    scatter_base, scatter_base + 1, scatter_base + 2,
                    user_table, item_table, time_table)
    return out.reshape(_B, 3 * _DIM)

# --- scband reference (transcript-rebuilt; emitter-appended) ---
"""Pipeline reference for scband-tensor-embeddings-17798344474939 (READ-ONLY COPY).

The authoritative reference and input builder live on the scoring server;
editing this copy changes nothing except your own understanding.
"""

import jax, jax.numpy as jnp
import numpy as np

NUM_USER = 1000000
NUM_ITEM = 100000
NUM_TIME = 1000
DIM = 32
BATCH = 16384


def setup_inputs(seed: int = 0) -> dict:
    key = jax.random.key(seed)
    k1, k2, k3, k4, k5, k6 = jax.random.split(key, 6)
    user_idx = jax.random.randint(k1, (BATCH,), 0, NUM_USER, dtype=jnp.int64 if jax.config.jax_enable_x64 else jnp.int32).astype(jnp.int32)
    item_idx = jax.random.randint(k2, (BATCH,), 0, NUM_ITEM).astype(jnp.int32)
    time_idx = jax.random.randint(k3, (BATCH,), 0, NUM_TIME).astype(jnp.int32)
    user_table = jax.random.normal(k4, (NUM_USER, DIM), dtype=jnp.float32) * 0.02
    item_table = jax.random.normal(k5, (NUM_ITEM, DIM), dtype=jnp.float32) * 0.02
    time_table = jax.random.normal(k6, (NUM_TIME, DIM), dtype=jnp.float32) * 0.02
    return {
        "user_idx": user_idx,
        "item_idx": item_idx,
        "time_idx": time_idx,
        "user_table": user_table,
        "item_table": item_table,
        "time_table": time_table,
    }


def reference(user_idx, item_idx, time_idx, user_table, item_table, time_table):
    # Faithful translation of TensorEmbeddings: three independent embedding
    # lookups (user, item, time). Outputs are concatenated along the feature
    # axis to produce a single [B, 3*dim] tensor of the looked-up embeddings.
    u = jnp.take(user_table, user_idx, axis=0)
    i = jnp.take(item_table, item_idx, axis=0)
    tm = jnp.take(time_table, time_idx, axis=0)
    return jnp.concatenate([u, i, tm], axis=-1)

if __name__ == "__main__":
    import jax
    _d = setup_inputs()
    print(jax.jit(kernel)(*tuple(_d.values())))

</pallas_src>

<mosaic_0001>
#map = affine_map<(d0, d1) -> (0)>
#map1 = affine_map<(d0, d1) -> (0, 0)>
module attributes {stable_mosaic.version = 14 : i64} {
  func.func @_body(%arg0: i32, %arg1: i32, %arg2: memref<16384xi32, #tpu.memory_space<hbm>>, %arg3: memref<16384xi32, #tpu.memory_space<hbm>>, %arg4: memref<16384xi32, #tpu.memory_space<hbm>>, %arg5: memref<16384xi32, #tpu.memory_space<hbm>>, %arg6: memref<16384xi32, #tpu.memory_space<hbm>>, %arg7: memref<16384xi32, #tpu.memory_space<hbm>>, %arg8: memref<1000000x32xf32, #tpu.memory_space<hbm>>, %arg9: memref<100000x32xf32, #tpu.memory_space<hbm>>, %arg10: memref<1000x32xf32, #tpu.memory_space<hbm>>, %arg11: memref<49152x32xf32, #tpu.memory_space<hbm>>, %arg12: memref<512xi32, #tpu.memory_space<vmem>>, %arg13: memref<512xi32, #tpu.memory_space<vmem>>, %arg14: memref<512xi32, #tpu.memory_space<vmem>>, %arg15: memref<4x128xi32, #tpu.memory_space<vmem>>, %arg16: memref<4x128xi32, #tpu.memory_space<vmem>>, %arg17: memref<4x128xi32, #tpu.memory_space<vmem>>, %arg18: memref<3x4x128x32xf32, #tpu.memory_space<vmem>>, %arg19: memref<!tpu.dma_semaphore, #tpu.memory_space<semaphore_mem>>) attributes {dimension_semantics = [#tpu.dimension_semantics<core_parallel>, #tpu.dimension_semantics<subcore_parallel>], iteration_bounds = array<i64: 2, 16>, scalar_prefetch = 0 : i64, scratch_operands = 8 : i64, tpu.core_type = #tpu.core_type<sc_vector_subcore>, window_params = [{transform_indices = #map}, {transform_indices = #map}, {transform_indices = #map}, {transform_indices = #map}, {transform_indices = #map}, {transform_indices = #map}, {transform_indices = #map1}, {transform_indices = #map1}, {transform_indices = #map1}, {transform_indices = #map1}]} {
    %mul3A = arith.constant 2 : i32
    %mul3A_0 = arith.muli %arg1, %mul3A : i32
    %add3A = arith.addi %mul3A_0, %arg0 : i32
    %mul3A_1 = arith.constant 512 : i32
    %mul3A_2 = arith.muli %add3A, %mul3A_1 : i32
    "tpu.region"() ({
      %run_scoped3A_336 = tpu.sem_alloc : memref<!tpu.dma_semaphore, #tpu.memory_space<semaphore_mem>>
      %dma_start3A_337 = tpu.memref_slice %arg2[%mul3A_2] : memref<16384xi32, #tpu.memory_space<hbm>> -> memref<512xi32, #tpu.memory_space<hbm>>
      %dma_start3A_338 = tpu.memref_slice %arg2[%mul3A_2] : memref<16384xi32, #tpu.memory_space<hbm>> -> memref<512xi32, #tpu.memory_space<hbm>>
      tpu.enqueue_dma source(%dma_start3A_338 : memref<512xi32, #tpu.memory_space<hbm>>) target(%arg12 : memref<512xi32, #tpu.memory_space<vmem>>) target_semaphore(%run_scoped3A_336 : memref<!tpu.dma_semaphore, #tpu.memory_space<semaphore_mem>>)
      %dma_wait3A_339 = tpu.memref_slice %arg2[%mul3A_2] : memref<16384xi32, #tpu.memory_space<hbm>> -> memref<512xi32, #tpu.memory_space<hbm>>
      %dma_wait3A_340 = tpu.memref_slice %arg2[%mul3A_2] : memref<16384xi32, #tpu.memory_space<hbm>> -> memref<512xi32, #tpu.memory_space<hbm>>
      tpu.wait_dma2 semaphore(%run_scoped3A_336 : memref<!tpu.dma_semaphore, #tpu.memory_space<semaphore_mem>>) src(%dma_wait3A_340 : memref<512xi32, #tpu.memory_space<hbm>>) dst(%arg12 : memref<512xi32, #tpu.memory_space<vmem>>)
      tpu.yield
    }) : () -> ()
    "tpu.region"() ({
      %run_scoped3A_336 = tpu.sem_alloc : memref<!tpu.dma_semaphore, #tpu.memory_space<semaphore_mem>>
      %dma_start3A_337 = tpu.memref_slice %arg3[%mul3A_2] : memref<16384xi32, #tpu.memory_space<hbm>> -> memref<512xi32, #tpu.memory_space<hbm>>
      %dma_start3A_338 = tpu.memref_slice %arg3[%mul3A_2] : memref<16384xi32, #tpu.memory_space<hbm>> -> memref<512xi32, #tpu.memory_space<hbm>>
      tpu.enqueue_dma source(%dma_start3A_338 : memref<512xi32, #tpu.memory_space<hbm>>) target(%arg13 : memref<512xi32, #tpu.memory_space<vmem>>) target_semaphore(%run_scoped3A_336 : memref<!tpu.dma_semaphore, #tpu.memory_space<semaphore_mem>>)
      %dma_wait3A_339 = tpu.memref_slice %arg3[%mul3A_2] : memref<16384xi32, #tpu.memory_space<hbm>> -> memref<512xi32, #tpu.memory_space<hbm>>
      %dma_wait3A_340 = tpu.memref_slice %arg3[%mul3A_2] : memref<16384xi32, #tpu.memory_space<hbm>> -> memref<512xi32, #tpu.memory_space<hbm>>
      tpu.wait_dma2 semaphore(%run_scoped3A_336 : memref<!tpu.dma_semaphore, #tpu.memory_space<semaphore_mem>>) src(%dma_wait3A_340 : memref<512xi32, #tpu.memory_space<hbm>>) dst(%arg13 : memref<512xi32, #tpu.memory_space<vmem>>)
      tpu.yield
    }) : () -> ()
    "tpu.region"() ({
      %run_scoped3A_336 = tpu.sem_alloc : memref<!tpu.dma_semaphore, #tpu.memory_space<semaphore_mem>>
      %dma_start3A_337 = tpu.memref_slice %arg4[%mul3A_2] : memref<16384xi32, #tpu.memory_space<hbm>> -> memref<512xi32, #tpu.memory_space<hbm>>
      %dma_start3A_338 = tpu.memref_slice %arg4[%mul3A_2] : memref<16384xi32, #tpu.memory_space<hbm>> -> memref<512xi32, #tpu.memory_space<hbm>>
      tpu.enqueue_dma source(%dma_start3A_338 : memref<512xi32, #tpu.memory_space<hbm>>) target(%arg14 : memref<512xi32, #tpu.memory_space<vmem>>) target_semaphore(%run_scoped3A_336 : memref<!tpu.dma_semaphore, #tpu.memory_space<semaphore_mem>>)
      %dma_wait3A_339 = tpu.memref_slice %arg4[%mul3A_2] : memref<16384xi32, #tpu.memory_space<hbm>> -> memref<512xi32, #tpu.memory_space<hbm>>
      %dma_wait3A_340 = tpu.memref_slice %arg4[%mul3A_2] : memref<16384xi32, #tpu.memory_space<hbm>> -> memref<512xi32, #tpu.memory_space<hbm>>
      tpu.wait_dma2 semaphore(%run_scoped3A_336 : memref<!tpu.dma_semaphore, #tpu.memory_space<semaphore_mem>>) src(%dma_wait3A_340 : memref<512xi32, #tpu.memory_space<hbm>>) dst(%arg14 : memref<512xi32, #tpu.memory_space<vmem>>)
      tpu.yield
    }) : () -> ()
    %add3A_3 = arith.constant 0 : i32
    %add3A_4 = arith.addi %mul3A_2, %add3A_3 : i32
    %run_scoped3A = arith.constant 0 : i32
    "tpu.region"() ({
      %run_scoped3A_336 = tpu.sem_alloc : memref<!tpu.dma_semaphore, #tpu.memory_space<semaphore_mem>>
      %dma_start3A_337 = arith.constant 0 : i32
      %dma_start3A_338 = tpu.memref_slice %arg15[%run_scoped3A, %dma_start3A_337] : memref<4x128xi32, #tpu.memory_space<vmem>> -> memref<1x128xi32, #tpu.memory_space<vmem>>
      %dma_start3A_339 = tpu.memref_squeeze %dma_start3A_338 : memref<1x128xi32, #tpu.memory_space<vmem>> -> memref<128xi32, #tpu.memory_space<vmem>>
      %dma_start3A_340 = tpu.memref_slice %arg5[%add3A_4] : memref<16384xi32, #tpu.memory_space<hbm>> -> memref<128xi32, #tpu.memory_space<hbm>>
      %dma_start3A_341 = arith.constant 0 : i32
      %dma_start3A_342 = tpu.memref_slice %arg15[%run_scoped3A, %dma_start3A_341] : memref<4x128xi32, #tpu.memory_space<vmem>> -> memref<1x128xi32, #tpu.memory_space<vmem>>
      %dma_start3A_343 = tpu.memref_squeeze %dma_start3A_342 : memref<1x128xi32, #tpu.memory_space<vmem>> -> memref<128xi32, #tpu.memory_space<vmem>>
      %dma_start3A_344 = tpu.memref_slice %arg5[%add3A_4] : memref<16384xi32, #tpu.memory_space<hbm>> -> memref<128xi32, #tpu.memory_space<hbm>>
      tpu.enqueue_dma source(%dma_start3A_344 : memref<128xi32, #tpu.memory_space<hbm>>) target(%dma_start3A_343 : memref<128xi32, #tpu.memory_space<vmem>>) target_semaphore(%run_scoped3A_336 : memref<!tpu.dma_semaphore, #tpu.memory_space<semaphore_mem>>)
      %dma_wait3A_345 = arith.constant 0 : i32
      %dma_wait3A_346 = tpu.memref_slice %arg15[%run_scoped3A, %dma_wait3A_345] : memref<4x128xi32, #tpu.memory_space<vmem>> -> memref<1x128xi32, #tpu.memory_space<vmem>>
      %dma_wait3A_347 = tpu.memref_squeeze %dma_wait3A_346 : memref<1x128xi32, #tpu.memory_space<vmem>> -> memref<128xi32, #tpu.memory_space<vmem>>
      %dma_wait3A_348 = tpu.memref_slice %arg5[%add3A_4] : memref<16384xi32, #tpu.memory_space<hbm>> -> memref<128xi32, #tpu.memory_space<hbm>>
      %dma_wait3A_349 = arith.constant 0 : i32
      %dma_wait3A_350 = tpu.memref_slice %arg15[%run_scoped3A, %dma_wait3A_349] : memref<4x128xi32, #tpu.memory_space<vmem>> -> memref<1x128xi32, #tpu.memory_space<vmem>>
      %dma_wait3A_351 = tpu.memref_squeeze %dma_wait3A_350 : memref<1x128xi32, #tpu.memory_space<vmem>> -> memref<128xi32, #tpu.memory_space<vmem>>
      %dma_wait3A_352 = tpu.memref_slice %arg5[%add3A_4] : memref<16384xi32, #tpu.memory_space<hbm>> -> memref<128xi32, #tpu.memory_space<hbm>>
      tpu.wait_dma2 semaphore(%run_scoped3A_336 : memref<!tpu.dma_semaphore, #tpu.memory_space<semaphore_mem>>) src(%dma_wait3A_352 : memref<128xi32, #tpu.memory_space<hbm>>) dst(%dma_wait3A_351 : memref<128xi32, #tpu.memory_space<vmem>>)
      tpu.yield
    }) : () -> ()
    %add3A_5 = arith.constant 0 : i32
    %add3A_6 = arith.addi %mul3A_2, %add3A_5 : i32
    %run_scoped3A_7 = arith.constant 0 : i32
    "tpu.region"() ({
      %run_scoped3A_336 = tpu.sem_alloc : memref<!tpu.dma_semaphore, #tpu.memory_space<semaphore_mem>>
      %dma_start3A_337 = arith.constant 0 : i32
      %dma_start3A_338 = tpu.memref_slice %arg16[%run_scoped3A_7, %dma_start3A_337] : memref<4x128xi32, #tpu.memory_space<vmem>> -> memref<1x128xi32, #tpu.memory_space<vmem>>
      %dma_start3A_339 = tpu.memref_squeeze %dma_start3A_338 : memref<1x128xi32, #tpu.memory_space<vmem>> -> memref<128xi32, #tpu.memory_space<vmem>>
      %dma_start3A_340 = tpu.memref_slice %arg6[%add3A_6] : memref<16384xi32, #tpu.memory_space<hbm>> -> memref<128xi32, #tpu.memory_space<hbm>>
      %dma_start3A_341 = arith.constant 0 : i32
      %dma_start3A_342 = tpu.memref_slice %arg16[%run_scoped3A_7, %dma_start3A_341] : memref<4x128xi32, #tpu.memory_space<vmem>> -> memref<1x128xi32, #tpu.memory_space<vmem>>
      %dma_start3A_343 = tpu.memref_squeeze %dma_start3A_342 : memref<1x128xi32, #tpu.memory_space<vmem>> -> memref<128xi32, #tpu.memory_space<vmem>>
      %dma_start3A_344 = tpu.memref_slice %arg6[%add3A_6] : memref<16384xi32, #tpu.memory_space<hbm>> -> memref<128xi32, #tpu.memory_space<hbm>>
      tpu.enqueue_dma source(%dma_start3A_344 : memref<128xi32, #tpu.memory_space<hbm>>) target(%dma_start3A_343 : memref<128xi32, #tpu.memory_space<vmem>>) target_semaphore(%run_scoped3A_336 : memref<!tpu.dma_semaphore, #tpu.memory_space<semaphore_mem>>)
      %dma_wait3A_345 = arith.constant 0 : i32
      %dma_wait3A_346 = tpu.memref_slice %arg16[%run_scoped3A_7, %dma_wait3A_345] : memref<4x128xi32, #tpu.memory_space<vmem>> -> memref<1x128xi32, #tpu.memory_space<vmem>>
      %dma_wait3A_347 = tpu.memref_squeeze %dma_wait3A_346 : memref<1x128xi32, #tpu.memory_space<vmem>> -> memref<128xi32, #tpu.memory_space<vmem>>
      %dma_wait3A_348 = tpu.memref_slice %arg6[%add3A_6] : memref<16384xi32, #tpu.memory_space<hbm>> -> memref<128xi32, #tpu.memory_space<hbm>>
      %dma_wait3A_349 = arith.constant 0 : i32
      %dma_wait3A_350 = tpu.memref_slice %arg16[%run_scoped3A_7, %dma_wait3A_349] : memref<4x128xi32, #tpu.memory_space<vmem>> -> memref<1x128xi32, #tpu.memory_space<vmem>>
      %dma_wait3A_351 = tpu.memref_squeeze %dma_wait3A_350 : memref<1x128xi32, #tpu.memory_space<vmem>> -> memref<128xi32, #tpu.memory_space<vmem>>
      %dma_wait3A_352 = tpu.memref_slice %arg6[%add3A_6] : memref<16384xi32, #tpu.memory_space<hbm>> -> memref<128xi32, #tpu.memory_space<hbm>>
      tpu.wait_dma2 semaphore(%run_scoped3A_336 : memref<!tpu.dma_semaphore, #tpu.memory_space<semaphore_mem>>) src(%dma_wait3A_352 : memref<128xi32, #tpu.memory_space<hbm>>) dst(%dma_wait3A_351 : memref<128xi32, #tpu.memory_space<vmem>>)
      tpu.yield
    }) : () -> ()
    %add3A_8 = arith.constant 0 : i32
    %add3A_9 = arith.addi %mul3A_2, %add3A_8 : i32
    %run_scoped3A_10 = arith.constant 0 : i32
    "tpu.region"() ({
      %run_scoped3A_336 = tpu.sem_alloc : memref<!tpu.dma_semaphore, #tpu.memory_space<semaphore_mem>>
      %dma_start3A_337 = arith.constant 0 : i32
      %dma_start3A_338 = tpu.memref_slice %arg17[%run_scoped3A_10, %dma_start3A_337] : memref<4x128xi32, #tpu.memory_space<vmem>> -> memref<1x128xi32, #tpu.memory_space<vmem>>
      %dma_start3A_339 = tpu.memref_squeeze %dma_start3A_338 : memref<1x128xi32, #tpu.memory_space<vmem>> -> memref<128xi32, #tpu.memory_space<vmem>>
      %dma_start3A_340 = tpu.memref_slice %arg7[%add3A_9] : memref<16384xi32, #tpu.memory_space<hbm>> -> memref<128xi32, #tpu.memory_space<hbm>>
      %dma_start3A_341 = arith.constant 0 : i32
      %dma_start3A_342 = tpu.memref_slice %arg17[%run_scoped3A_10, %dma_start3A_341] : memref<4x128xi32, #tpu.memory_space<vmem>> -> memref<1x128xi32, #tpu.memory_space<vmem>>
      %dma_start3A_343 = tpu.memref_squeeze %dma_start3A_342 : memref<1x128xi32, #tpu.memory_space<vmem>> -> memref<128xi32, #tpu.memory_space<vmem>>
      %dma_start3A_344 = tpu.memref_slice %arg7[%add3A_9] : memref<16384xi32, #tpu.memory_space<hbm>> -> memref<128xi32, #tpu.memory_space<hbm>>
      tpu.enqueue_dma source(%dma_start3A_344 : memref<128xi32, #tpu.memory_space<hbm>>) target(%dma_start3A_343 : memref<128xi32, #tpu.memory_space<vmem>>) target_semaphore(%run_scoped3A_336 : memref<!tpu.dma_semaphore, #tpu.memory_space<semaphore_mem>>)
      %dma_wait3A_345 = arith.constant 0 : i32
      %dma_wait3A_346 = tpu.memref_slice %arg17[%run_scoped3A_10, %dma_wait3A_345] : memref<4x128xi32, #tpu.memory_space<vmem>> -> memref<1x128xi32, #tpu.memory_space<vmem>>
      %dma_wait3A_347 = tpu.memref_squeeze %dma_wait3A_346 : memref<1x128xi32, #tpu.memory_space<vmem>> -> memref<128xi32, #tpu.memory_space<vmem>>
      %dma_wait3A_348 = tpu.memref_slice %arg7[%add3A_9] : memref<16384xi32, #tpu.memory_space<hbm>> -> memref<128xi32, #tpu.memory_space<hbm>>
      %dma_wait3A_349 = arith.constant 0 : i32
      %dma_wait3A_350 = tpu.memref_slice %arg17[%run_scoped3A_10, %dma_wait3A_349] : memref<4x128xi32, #tpu.memory_space<vmem>> -> memref<1x128xi32, #tpu.memory_space<vmem>>
      %dma_wait3A_351 = tpu.memref_squeeze %dma_wait3A_350 : memref<1x128xi32, #tpu.memory_space<vmem>> -> memref<128xi32, #tpu.memory_space<vmem>>
      %dma_wait3A_352 = tpu.memref_slice %arg7[%add3A_9] : memref<16384xi32, #tpu.memory_space<hbm>> -> memref<128xi32, #tpu.memory_space<hbm>>
      tpu.wait_dma2 semaphore(%run_scoped3A_336 : memref<!tpu.dma_semaphore, #tpu.memory_space<semaphore_mem>>) src(%dma_wait3A_352 : memref<128xi32, #tpu.memory_space<hbm>>) dst(%dma_wait3A_351 : memref<128xi32, #tpu.memory_space<vmem>>)
      tpu.yield
    }) : () -> ()
    %add3A_11 = arith.constant 128 : i32
    %add3A_12 = arith.addi %mul3A_2, %add3A_11 : i32
    %run_scoped3A_13 = arith.constant 1 : i32
    "tpu.region"() ({
      %run_scoped3A_336 = tpu.sem_alloc : memref<!tpu.dma_semaphore, #tpu.memory_space<semaphore_mem>>
      %dma_start3A_337 = arith.constant 0 : i32
      %dma_start3A_338 = tpu.memref_slice %arg15[%run_scoped3A_13, %dma_start3A_337] : memref<4x128xi32, #tpu.memory_space<vmem>> -> memref<1x128xi32, #tpu.memory_space<vmem>>
      %dma_start3A_339 = tpu.memref_squeeze %dma_start3A_338 : memref<1x128xi32, #tpu.memory_space<vmem>> -> memref<128xi32, #tpu.memory_space<vmem>>
      %dma_start3A_340 = tpu.memref_slice %arg5[%add3A_12] : memref<16384xi32, #tpu.memory_space<hbm>> -> memref<128xi32, #tpu.memory_space<hbm>>
      %dma_start3A_341 = arith.constant 0 : i32
      %dma_start3A_342 = tpu.memref_slice %arg15[%run_scoped3A_13, %dma_start3A_341] : memref<4x128xi32, #tpu.memory_space<vmem>> -> memref<1x128xi32, #tpu.memory_space<vmem>>
      %dma_start3A_343 = tpu.memref_squeeze %dma_start3A_342 : memref<1x128xi32, #tpu.memory_space<vmem>> -> memref<128xi32, #tpu.memory_space<vmem>>
      %dma_start3A_344 = tpu.memref_slice %arg5[%add3A_12] : memref<16384xi32, #tpu.memory_space<hbm>> -> memref<128xi32, #tpu.memory_space<hbm>>
      tpu.enqueue_dma source(%dma_start3A_344 : memref<128xi32, #tpu.memory_space<hbm>>) target(%dma_start3A_343 : memref<128xi32, #tpu.memory_space<vmem>>) target_semaphore(%run_scoped3A_336 : memref<!tpu.dma_semaphore, #tpu.memory_space<semaphore_mem>>)
      %dma_wait3A_345 = arith.constant 0 : i32
      %dma_wait3A_346 = tpu.memref_slice %arg15[%run_scoped3A_13, %dma_wait3A_345] : memref<4x128xi32, #tpu.memory_space<vmem>> -> memref<1x128xi32, #tpu.memory_space<vmem>>
      %dma_wait3A_347 = tpu.memref_squeeze %dma_wait3A_346 : memref<1x128xi32, #tpu.memory_space<vmem>> -> memref<128xi32, #tpu.memory_space<vmem>>
      %dma_wait3A_348 = tpu.memref_slice %arg5[%add3A_12] : memref<16384xi32, #tpu.memory_space<hbm>> -> memref<128xi32, #tpu.memory_space<hbm>>
      %dma_wait3A_349 = arith.constant 0 : i32
      %dma_wait3A_350 = tpu.memref_slice %arg15[%run_scoped3A_13, %dma_wait3A_349] : memref<4x128xi32, #tpu.memory_space<vmem>> -> memref<1x128xi32, #tpu.memory_space<vmem>>
      %dma_wait3A_351 = tpu.memref_squeeze %dma_wait3A_350 : memref<1x128xi32, #tpu.memory_space<vmem>> -> memref<128xi32, #tpu.memory_space<vmem>>
      %dma_wait3A_352 = tpu.memref_slice %arg5[%add3A_12] : memref<16384xi32, #tpu.memory_space<hbm>> -> memref<128xi32, #tpu.memory_space<hbm>>
      tpu.wait_dma2 semaphore(%run_scoped3A_336 : memref<!tpu.dma_semaphore, #tpu.memory_space<semaphore_mem>>) src(%dma_wait3A_352 : memref<128xi32, #tpu.memory_space<hbm>>) dst(%dma_wait3A_351 : memref<128xi32, #tpu.memory_space<vmem>>)
      tpu.yield
    }) : () -> ()
    %add3A_14 = arith.constant 128 : i32
    %add3A_15 = arith.addi %mul3A_2, %add3A_14 : i32
    %run_scoped3A_16 = arith.constant 1 : i32
    "tpu.region"() ({
      %run_scoped3A_336 = tpu.sem_alloc : memref<!tpu.dma_semaphore, #tpu.memory_space<semaphore_mem>>
      %dma_start3A_337 = arith.constant 0 : i32
      %dma_start3A_338 = tpu.memref_slice %arg16[%run_scoped3A_16, %dma_start3A_337] : memref<4x128xi32, #tpu.memory_space<vmem>> -> memref<1x128xi32, #tpu.memory_space<vmem>>
      %dma_start3A_339 = tpu.memref_squeeze %dma_start3A_338 : memref<1x128xi32, #tpu.memory_space<vmem>> -> memref<128xi32, #tpu.memory_space<vmem>>
      %dma_start3A_340 = tpu.memref_slice %arg6[%add3A_15] : memref<16384xi32, #tpu.memory_space<hbm>> -> memref<128xi32, #tpu.memory_space<hbm>>
      %dma_start3A_341 = arith.constant 0 : i32
      %dma_start3A_342 = tpu.memref_slice %arg16[%run_scoped3A_16, %dma_start3A_341] : memref<4x128xi32, #tpu.memory_space<vmem>> -> memref<1x128xi32, #tpu.memory_space<vmem>>
      %dma_start3A_343 = tpu.memref_squeeze %dma_start3A_342 : memref<1x128xi32, #tpu.memory_space<vmem>> -> memref<128xi32, #tpu.memory_space<vmem>>
      %dma_start3A_344 = tpu.memref_slice %arg6[%add3A_15] : memref<16384xi32, #tpu.memory_space<hbm>> -> memref<128xi32, #tpu.memory_space<hbm>>
      tpu.enqueue_dma source(%dma_start3A_344 : memref<128xi32, #tpu.memory_space<hbm>>) target(%dma_start3A_343 : memref<128xi32, #tpu.memory_space<vmem>>) target_semaphore(%run_scoped3A_336 : memref<!tpu.dma_semaphore, #tpu.memory_space<semaphore_mem>>)
      %dma_wait3A_345 = arith.constant 0 : i32
      %dma_wait3A_346 = tpu.memref_slice %arg16[%run_scoped3A_16, %dma_wait3A_345] : memref<4x128xi32, #tpu.memory_space<vmem>> -> memref<1x128xi32, #tpu.memory_space<vmem>>
      %dma_wait3A_347 = tpu.memref_squeeze %dma_wait3A_346 : memref<1x128xi32, #tpu.memory_space<vmem>> -> memref<128xi32, #tpu.memory_space<vmem>>
      %dma_wait3A_348 = tpu.memref_slice %arg6[%add3A_15] : memref<16384xi32, #tpu.memory_space<hbm>> -> memref<128xi32, #tpu.memory_space<hbm>>
      %dma_wait3A_349 = arith.constant 0 : i32
      %dma_wait3A_350 = tpu.memref_slice %arg16[%run_scoped3A_16, %dma_wait3A_349] : memref<4x128xi32, #tpu.memory_space<vmem>> -> memref<1x128xi32, #tpu.memory_space<vmem>>
      %dma_wait3A_351 = tpu.memref_squeeze %dma_wait3A_350 : memref<1x128xi32, #tpu.memory_space<vmem>> -> memref<128xi32, #tpu.memory_space<vmem>>
      %dma_wait3A_352 = tpu.memref_slice %arg6[%add3A_15] : memref<16384xi32, #tpu.memory_space<hbm>> -> memref<128xi32, #tpu.memory_space<hbm>>
      tpu.wait_dma2 semaphore(%run_scoped3A_336 : memref<!tpu.dma_semaphore, #tpu.memory_space<semaphore_mem>>) src(%dma_wait3A_352 : memref<128xi32, #tpu.memory_space<hbm>>) dst(%dma_wait3A_351 : memref<128xi32, #tpu.memory_space<vmem>>)
      tpu.yield
    }) : () -> ()
    %add3A_17 = arith.constant 128 : i32
    %add3A_18 = arith.addi %mul3A_2, %add3A_17 : i32
    %run_scoped3A_19 = arith.constant 1 : i32
    "tpu.region"() ({
      %run_scoped3A_336 = tpu.sem_alloc : memref<!tpu.dma_semaphore, #tpu.memory_space<semaphore_mem>>
      %dma_start3A_337 = arith.constant 0 : i32
      %dma_start3A_338 = tpu.memref_slice %arg17[%run_scoped3A_19, %dma_start3A_337] : memref<4x128xi32, #tpu.memory_space<vmem>> -> memref<1x128xi32, #tpu.memory_space<vmem>>
      %dma_start3A_339 = tpu.memref_squeeze %dma_start3A_338 : memref<1x128xi32, #tpu.memory_space<vmem>> -> memref<128xi32, #tpu.memory_space<vmem>>
      %dma_start3A_340 = tpu.memref_slice %arg7[%add3A_18] : memref<16384xi32, #tpu.memory_space<hbm>> -> memref<128xi32, #tpu.memory_space<hbm>>
      %dma_start3A_341 = arith.constant 0 : i32
      %dma_start3A_342 = tpu.memref_slice %arg17[%run_scoped3A_19, %dma_start3A_341] : memref<4x128xi32, #tpu.memory_space<vmem>> -> memref<1x128xi32, #tpu.memory_space<vmem>>
      %dma_start3A_343 = tpu.memref_squeeze %dma_start3A_342 : memref<1x128xi32, #tpu.memory_space<vmem>> -> memref<128xi32, #tpu.memory_space<vmem>>
      %dma_start3A_344 = tpu.memref_slice %arg7[%add3A_18] : memref<16384xi32, #tpu.memory_space<hbm>> -> memref<128xi32, #tpu.memory_space<hbm>>
      tpu.enqueue_dma source(%dma_start3A_344 : memref<128xi32, #tpu.memory_space<hbm>>) target(%dma_start3A_343 : memref<128xi32, #tpu.memory_space<vmem>>) target_semaphore(%run_scoped3A_336 : memref<!tpu.dma_semaphore, #tpu.memory_space<semaphore_mem>>)
      %dma_wait3A_345 = arith.constant 0 : i32
      %dma_wait3A_346 = tpu.memref_slice %arg17[%run_scoped3A_19, %dma_wait3A_345] : memref<4x128xi32, #tpu.memory_space<vmem>> -> memref<1x128xi32, #tpu.memory_space<vmem>>
      %dma_wait3A_347 = tpu.memref_squeeze %dma_wait3A_346 : memref<1x128xi32, #tpu.memory_space<vmem>> -> memref<128xi32, #tpu.memory_space<vmem>>
      %dma_wait3A_348 = tpu.memref_slice %arg7[%add3A_18] : memref<16384xi32, #tpu.memory_space<hbm>> -> memref<128xi32, #tpu.memory_space<hbm>>
      %dma_wait3A_349 = arith.constant 0 : i32
      %dma_wait3A_350 = tpu.memref_slice %arg17[%run_scoped3A_19, %dma_wait3A_349] : memref<4x128xi32, #tpu.memory_space<vmem>> -> memref<1x128xi32, #tpu.memory_space<vmem>>
      %dma_wait3A_351 = tpu.memref_squeeze %dma_wait3A_350 : memref<1x128xi32, #tpu.memory_space<vmem>> -> memref<128xi32, #tpu.memory_space<vmem>>
      %dma_wait3A_352 = tpu.memref_slice %arg7[%add3A_18] : memref<16384xi32, #tpu.memory_space<hbm>> -> memref<128xi32, #tpu.memory_space<hbm>>
      tpu.wait_dma2 semaphore(%run_scoped3A_336 : memref<!tpu.dma_semaphore, #tpu.memory_space<semaphore_mem>>) src(%dma_wait3A_352 : memref<128xi32, #tpu.memory_space<hbm>>) dst(%dma_wait3A_351 : memref<128xi32, #tpu.memory_space<vmem>>)
      tpu.yield
    }) : () -> ()
    %add3A_20 = arith.constant 256 : i32
    %add3A_21 = arith.addi %mul3A_2, %add3A_20 : i32
    %run_scoped3A_22 = arith.constant 2 : i32
    "tpu.region"() ({
      %run_scoped3A_336 = tpu.sem_alloc : memref<!tpu.dma_semaphore, #tpu.memory_space<semaphore_mem>>
      %dma_start3A_337 = arith.constant 0 : i32
      %dma_start3A_338 = tpu.memref_slice %arg15[%run_scoped3A_22, %dma_start3A_337] : memref<4x128xi32, #tpu.memory_space<vmem>> -> memref<1x128xi32, #tpu.memory_space<vmem>>
      %dma_start3A_339 = tpu.memref_squeeze %dma_start3A_338 : memref<1x128xi32, #tpu.memory_space<vmem>> -> memref<128xi32, #tpu.memory_space<vmem>>
      %dma_start3A_340 = tpu.memref_slice %arg5[%add3A_21] : memref<16384xi32, #tpu.memory_space<hbm>> -> memref<128xi32, #tpu.memory_space<hbm>>
      %dma_start3A_341 = arith.constant 0 : i32
      %dma_start3A_342 = tpu.memref_slice %arg15[%run_scoped3A_22, %dma_start3A_341] : memref<4x128xi32, #tpu.memory_space<vmem>> -> memref<1x128xi32, #tpu.memory_space<vmem>>
      %dma_start3A_343 = tpu.memref_squeeze %dma_start3A_342 : memref<1x128xi32, #tpu.memory_space<vmem>> -> memref<128xi32, #tpu.memory_space<vmem>>
      %dma_start3A_344 = tpu.memref_slice %arg5[%add3A_21] : memref<16384xi32, #tpu.memory_space<hbm>> -> memref<128xi32, #tpu.memory_space<hbm>>
      tpu.enqueue_dma source(%dma_start3A_344 : memref<128xi32, #tpu.memory_space<hbm>>) target(%dma_start3A_343 : memref<128xi32, #tpu.memory_space<vmem>>) target_semaphore(%run_scoped3A_336 : memref<!tpu.dma_semaphore, #tpu.memory_space<semaphore_mem>>)
      %dma_wait3A_345 = arith.constant 0 : i32
      %dma_wait3A_346 = tpu.memref_slice %arg15[%run_scoped3A_22, %dma_wait3A_345] : memref<4x128xi32, #tpu.memory_space<vmem>> -> memref<1x128xi32, #tpu.memory_space<vmem>>
      %dma_wait3A_347 = tpu.memref_squeeze %dma_wait3A_346 : memref<1x128xi32, #tpu.memory_space<vmem>> -> memref<128xi32, #tpu.memory_space<vmem>>
      %dma_wait3A_348 = tpu.memref_slice %arg5[%add3A_21] : memref<16384xi32, #tpu.memory_space<hbm>> -> memref<128xi32, #tpu.memory_space<hbm>>
      %dma_wait3A_349 = arith.constant 0 : i32
      %dma_wait3A_350 = tpu.memref_slice %arg15[%run_scoped3A_22, %dma_wait3A_349] : memref<4x128xi32, #tpu.memory_space<vmem>> -> memref<1x128xi32, #tpu.memory_space<vmem>>
      %dma_wait3A_351 = tpu.memref_squeeze %dma_wait3A_350 : memref<1x128xi32, #tpu.memory_space<vmem>> -> memref<128xi32, #tpu.memory_space<vmem>>
      %dma_wait3A_352 = tpu.memref_slice %arg5[%add3A_21] : memref<16384xi32, #tpu.memory_space<hbm>> -> memref<128xi32, #tpu.memory_space<hbm>>
      tpu.wait_dma2 semaphore(%run_scoped3A_336 : memref<!tpu.dma_semaphore, #tpu.memory_space<semaphore_mem>>) src(%dma_wait3A_352 : memref<128xi32, #tpu.memory_space<hbm>>) dst(%dma_wait3A_351 : memref<128xi32, #tpu.memory_space<vmem>>)
      tpu.yield
    }) : () -> ()
    %add3A_23 = arith.constant 256 : i32
    %add3A_24 = arith.addi %mul3A_2, %add3A_23 : i32
    %run_scoped3A_25 = arith.constant 2 : i32
    "tpu.region"() ({
      %run_scoped3A_336 = tpu.sem_alloc : memref<!tpu.dma_semaphore, #tpu.memory_space<semaphore_mem>>
      %dma_start3A_337 = arith.constant 0 : i32
      %dma_start3A_338 = tpu.memref_slice %arg16[%run_scoped3A_25, %dma_start3A_337] : memref<4x128xi32, #tpu.memory_space<vmem>> -> memref<1x128xi32, #tpu.memory_space<vmem>>
      %dma_start3A_339 = tpu.memref_squeeze %dma_start3A_338 : memref<1x128xi32, #tpu.memory_space<vmem>> -> memref<128xi32, #tpu.memory_space<vmem>>
      %dma_start3A_340 = tpu.memref_slice %arg6[%add3A_24] : memref<16384xi32, #tpu.memory_space<hbm>> -> memref<128xi32, #tpu.memory_space<hbm>>
      %dma_start3A_341 = arith.constant 0 : i32
      %dma_start3A_342 = tpu.memref_slice %arg16[%run_scoped3A_25, %dma_start3A_341] : memref<4x128xi32, #tpu.memory_space<vmem>> -> memref<1x128xi32, #tpu.memory_space<vmem>>
      %dma_start3A_343 = tpu.memref_squeeze %dma_start3A_342 : memref<1x128xi32, #tpu.memory_space<vmem>> -> memref<128xi32, #tpu.memory_space<vmem>>
      %dma_start3A_344 = tpu.memref_slice %arg6[%add3A_24] : memref<16384xi32, #tpu.memory_space<hbm>> -> memref<128xi32, #tpu.memory_space<hbm>>
      tpu.enqueue_dma source(%dma_start3A_344 : memref<128xi32, #tpu.memory_space<hbm>>) target(%dma_start3A_343 : memref<128xi32, #tpu.memory_space<vmem>>) target_semaphore(%run_scoped3A_336 : memref<!tpu.dma_semaphore, #tpu.memory_space<semaphore_mem>>)
      %dma_wait3A_345 = arith.constant 0 : i32
      %dma_wait3A_346 = tpu.memref_slice %arg16[%run_scoped3A_25, %dma_wait3A_345] : memref<4x128xi32, #tpu.memory_space<vmem>> -> memref<1x128xi32, #tpu.memory_space<vmem>>
      %dma_wait3A_347 = tpu.memref_squeeze %dma_wait3A_346 : memref<1x128xi32, #tpu.memory_space<vmem>> -> memref<128xi32, #tpu.memory_space<vmem>>
      %dma_wait3A_348 = tpu.memref_slice %arg6[%add3A_24] : memref<16384xi32, #tpu.memory_space<hbm>> -> memref<128xi32, #tpu.memory_space<hbm>>
      %dma_wait3A_349 = arith.constant 0 : i32
      %dma_wait3A_350 = tpu.memref_slice %arg16[%run_scoped3A_25, %dma_wait3A_349] : memref<4x128xi32, #tpu.memory_space<vmem>> -> memref<1x128xi32, #tpu.memory_space<vmem>>
      %dma_wait3A_351 = tpu.memref_squeeze %dma_wait3A_350 : memref<1x128xi32, #tpu.memory_space<vmem>> -> memref<128xi32, #tpu.memory_space<vmem>>
      %dma_wait3A_352 = tpu.memref_slice %arg6[%add3A_24] : memref<16384xi32, #tpu.memory_space<hbm>> -> memref<128xi32, #tpu.memory_space<hbm>>
      tpu.wait_dma2 semaphore(%run_scoped3A_336 : memref<!tpu.dma_semaphore, #tpu.memory_space<semaphore_mem>>) src(%dma_wait3A_352 : memref<128xi32, #tpu.memory_space<hbm>>) dst(%dma_wait3A_351 : memref<128xi32, #tpu.memory_space<vmem>>)
      tpu.yield
    }) : () -> ()
    %add3A_26 = arith.constant 256 : i32
    %add3A_27 = arith.addi %mul3A_2, %add3A_26 : i32
    %run_scoped3A_28 = arith.constant 2 : i32
    "tpu.region"() ({
      %run_scoped3A_336 = tpu.sem_alloc : memref<!tpu.dma_semaphore, #tpu.memory_space<semaphore_mem>>
      %dma_start3A_337 = arith.constant 0 : i32
      %dma_start3A_338 = tpu.memref_slice %arg17[%run_scoped3A_28, %dma_start3A_337] : memref<4x128xi32, #tpu.memory_space<vmem>> -> memref<1x128xi32, #tpu.memory_space<vmem>>
      %dma_start3A_339 = tpu.memref_squeeze %dma_start3A_338 : memref<1x128xi32, #tpu.memory_space<vmem>> -> memref<128xi32, #tpu.memory_space<vmem>>
      %dma_start3A_340 = tpu.memref_slice %arg7[%add3A_27] : memref<16384xi32, #tpu.memory_space<hbm>> -> memref<128xi32, #tpu.memory_space<hbm>>
      %dma_start3A_341 = arith.constant 0 : i32
      %dma_start3A_342 = tpu.memref_slice %arg17[%run_scoped3A_28, %dma_start3A_341] : memref<4x128xi32, #tpu.memory_space<vmem>> -> memref<1x128xi32, #tpu.memory_space<vmem>>
      %dma_start3A_343 = tpu.memref_squeeze %dma_start3A_342 : memref<1x128xi32, #tpu.memory_space<vmem>> -> memref<128xi32, #tpu.memory_space<vmem>>
      %dma_start3A_344 = tpu.memref_slice %arg7[%add3A_27] : memref<16384xi32, #tpu.memory_space<hbm>> -> memref<128xi32, #tpu.memory_space<hbm>>
      tpu.enqueue_dma source(%dma_start3A_344 : memref<128xi32, #tpu.memory_space<hbm>>) target(%dma_start3A_343 : memref<128xi32, #tpu.memory_space<vmem>>) target_semaphore(%run_scoped3A_336 : memref<!tpu.dma_semaphore, #tpu.memory_space<semaphore_mem>>)
      %dma_wait3A_345 = arith.constant 0 : i32
      %dma_wait3A_346 = tpu.memref_slice %arg17[%run_scoped3A_28, %dma_wait3A_345] : memref<4x128xi32, #tpu.memory_space<vmem>> -> memref<1x128xi32, #tpu.memory_space<vmem>>
      %dma_wait3A_347 = tpu.memref_squeeze %dma_wait3A_346 : memref<1x128xi32, #tpu.memory_space<vmem>> -> memref<128xi32, #tpu.memory_space<vmem>>
      %dma_wait3A_348 = tpu.memref_slice %arg7[%add3A_27] : memref<16384xi32, #tpu.memory_space<hbm>> -> memref<128xi32, #tpu.memory_space<hbm>>
      %dma_wait3A_349 = arith.constant 0 : i32
      %dma_wait3A_350 = tpu.memref_slice %arg17[%run_scoped3A_28, %dma_wait3A_349] : memref<4x128xi32, #tpu.memory_space<vmem>> -> memref<1x128xi32, #tpu.memory_space<vmem>>
      %dma_wait3A_351 = tpu.memref_squeeze %dma_wait3A_350 : memref<1x128xi32, #tpu.memory_space<vmem>> -> memref<128xi32, #tpu.memory_space<vmem>>
      %dma_wait3A_352 = tpu.memref_slice %arg7[%add3A_27] : memref<16384xi32, #tpu.memory_space<hbm>> -> memref<128xi32, #tpu.memory_space<hbm>>
      tpu.wait_dma2 semaphore(%run_scoped3A_336 : memref<!tpu.dma_semaphore, #tpu.memory_space<semaphore_mem>>) src(%dma_wait3A_352 : memref<128xi32, #tpu.memory_space<hbm>>) dst(%dma_wait3A_351 : memref<128xi32, #tpu.memory_space<vmem>>)
      tpu.yield
    }) : () -> ()
    %add3A_29 = arith.constant 384 : i32
    %add3A_30 = arith.addi %mul3A_2, %add3A_29 : i32
    %run_scoped3A_31 = arith.constant 3 : i32
    "tpu.region"() ({
      %run_scoped3A_336 = tpu.sem_alloc : memref<!tpu.dma_semaphore, #tpu.memory_space<semaphore_mem>>
      %dma_start3A_337 = arith.constant 0 : i32
      %dma_start3A_338 = tpu.memref_slice %arg15[%run_scoped3A_31, %dma_start3A_337] : memref<4x128xi32, #tpu.memory_space<vmem>> -> memref<1x128xi32, #tpu.memory_space<vmem>>
      %dma_start3A_339 = tpu.memref_squeeze %dma_start3A_338 : memref<1x128xi32, #tpu.memory_space<vmem>> -> memref<128xi32, #tpu.memory_space<vmem>>
      %dma_start3A_340 = tpu.memref_slice %arg5[%add3A_30] : memref<16384xi32, #tpu.memory_space<hbm>> -> memref<128xi32, #tpu.memory_space<hbm>>
      %dma_start3A_341 = arith.constant 0 : i32
      %dma_start3A_342 = tpu.memref_slice %arg15[%run_scoped3A_31, %dma_start3A_341] : memref<4x128xi32, #tpu.memory_space<vmem>> -> memref<1x128xi32, #tpu.memory_space<vmem>>
      %dma_start3A_343 = tpu.memref_squeeze %dma_start3A_342 : memref<1x128xi32, #tpu.memory_space<vmem>> -> memref<128xi32, #tpu.memory_space<vmem>>
      %dma_start3A_344 = tpu.memref_slice %arg5[%add3A_30] : memref<16384xi32, #tpu.memory_space<hbm>> -> memref<128xi32, #tpu.memory_space<hbm>>
      tpu.enqueue_dma source(%dma_start3A_344 : memref<128xi32, #tpu.memory_space<hbm>>) target(%dma_start3A_343 : memref<128xi32, #tpu.memory_space<vmem>>) target_semaphore(%run_scoped3A_336 : memref<!tpu.dma_semaphore, #tpu.memory_space<semaphore_mem>>)
      %dma_wait3A_345 = arith.constant 0 : i32
      %dma_wait3A_346 = tpu.memref_slice %arg15[%run_scoped3A_31, %dma_wait3A_345] : memref<4x128xi32, #tpu.memory_space<vmem>> -> memref<1x128xi32, #tpu.memory_space<vmem>>
      %dma_wait3A_347 = tpu.memref_squeeze %dma_wait3A_346 : memref<1x128xi32, #tpu.memory_space<vmem>> -> memref<128xi32, #tpu.memory_space<vmem>>
      %dma_wait3A_348 = tpu.memref_slice %arg5[%add3A_30] : memref<16384xi32, #tpu.memory_space<hbm>> -> memref<128xi32, #tpu.memory_space<hbm>>
      %dma_wait3A_349 = arith.constant 0 : i32
      %dma_wait3A_350 = tpu.memref_slice %arg15[%run_scoped3A_31, %dma_wait3A_349] : memref<4x128xi32, #tpu.memory_space<vmem>> -> memref<1x128xi32, #tpu.memory_space<vmem>>
      %dma_wait3A_351 = tpu.memref_squeeze %dma_wait3A_350 : memref<1x128xi32, #tpu.memory_space<vmem>> -> memref<128xi32, #tpu.memory_space<vmem>>
      %dma_wait3A_352 = tpu.memref_slice %arg5[%add3A_30] : memref<16384xi32, #tpu.memory_space<hbm>> -> memref<128xi32, #tpu.memory_space<hbm>>
      tpu.wait_dma2 semaphore(%run_scoped3A_336 : memref<!tpu.dma_semaphore, #tpu.memory_space<semaphore_mem>>) src(%dma_wait3A_352 : memref<128xi32, #tpu.memory_space<hbm>>) dst(%dma_wait3A_351 : memref<128xi32, #tpu.memory_space<vmem>>)
      tpu.yield
    }) : () -> ()
    %add3A_32 = arith.constant 384 : i32
    %add3A_33 = arith.addi %mul3A_2, %add3A_32 : i32
    %run_scoped3A_34 = arith.constant 3 : i32
    "tpu.region"() ({
      %run_scoped3A_336 = tpu.sem_alloc : memref<!tpu.dma_semaphore, #tpu.memory_space<semaphore_mem>>
      %dma_start3A_337 = arith.constant 0 : i32
      %dma_start3A_338 = tpu.memref_slice %arg16[%run_scoped3A_34, %dma_start3A_337] : memref<4x128xi32, #tpu.memory_space<vmem>> -> memref<1x128xi32, #tpu.memory_space<vmem>>
      %dma_start3A_339 = tpu.memref_squeeze %dma_start3A_338 : memref<1x128xi32, #tpu.memory_space<vmem>> -> memref<128xi32, #tpu.memory_space<vmem>>
      %dma_start3A_340 = tpu.memref_slice %arg6[%add3A_33] : memref<16384xi32, #tpu.memory_space<hbm>> -> memref<128xi32, #tpu.memory_space<hbm>>
      %dma_start3A_341 = arith.constant 0 : i32
      %dma_start3A_342 = tpu.memref_slice %arg16[%run_scoped3A_34, %dma_start3A_341] : memref<4x128xi32, #tpu.memory_space<vmem>> -> memref<1x128xi32, #tpu.memory_space<vmem>>
      %dma_start3A_343 = tpu.memref_squeeze %dma_start3A_342 : memref<1x128xi32, #tpu.memory_space<vmem>> -> memref<128xi32, #tpu.memory_space<vmem>>
      %dma_start3A_344 = tpu.memref_slice %arg6[%add3A_33] : memref<16384xi32, #tpu.memory_space<hbm>> -> memref<128xi32, #tpu.memory_space<hbm>>
      tpu.enqueue_dma source(%dma_start3A_344 : memref<128xi32, #tpu.memory_space<hbm>>) target(%dma_start3A_343 : memref<128xi32, #tpu.memory_space<vmem>>) target_semaphore(%run_scoped3A_336 : memref<!tpu.dma_semaphore, #tpu.memory_space<semaphore_mem>>)
      %dma_wait3A_345 = arith.constant 0 : i32
      %dma_wait3A_346 = tpu.memref_slice %arg16[%run_scoped3A_34, %dma_wait3A_345] : memref<4x128xi32, #tpu.memory_space<vmem>> -> memref<1x128xi32, #tpu.memory_space<vmem>>
      %dma_wait3A_347 = tpu.memref_squeeze %dma_wait3A_346 : memref<1x128xi32, #tpu.memory_space<vmem>> -> memref<128xi32, #tpu.memory_space<vmem>>
      %dma_wait3A_348 = tpu.memref_slice %arg6[%add3A_33] : memref<16384xi32, #tpu.memory_space<hbm>> -> memref<128xi32, #tpu.memory_space<hbm>>
      %dma_wait3A_349 = arith.constant 0 : i32
      %dma_wait3A_350 = tpu.memref_slice %arg16[%run_scoped3A_34, %dma_wait3A_349] : memref<4x128xi32, #tpu.memory_space<vmem>> -> memref<1x128xi32, #tpu.memory_space<vmem>>
      %dma_wait3A_351 = tpu.memref_squeeze %dma_wait3A_350 : memref<1x128xi32, #tpu.memory_space<vmem>> -> memref<128xi32, #tpu.memory_space<vmem>>
      %dma_wait3A_352 = tpu.memref_slice %arg6[%add3A_33] : memref<16384xi32, #tpu.memory_space<hbm>> -> memref<128xi32, #tpu.memory_space<hbm>>
      tpu.wait_dma2 semaphore(%run_scoped3A_336 : memref<!tpu.dma_semaphore, #tpu.memory_space<semaphore_mem>>) src(%dma_wait3A_352 : memref<128xi32, #tpu.memory_space<hbm>>) dst(%dma_wait3A_351 : memref<128xi32, #tpu.memory_space<vmem>>)
      tpu.yield
    }) : () -> ()
    %add3A_35 = arith.constant 384 : i32
    %add3A_36 = arith.addi %mul3A_2, %add3A_35 : i32
    %run_scoped3A_37 = arith.constant 3 : i32
    "tpu.region"() ({
      %run_scoped3A_336 = tpu.sem_alloc : memref<!tpu.dma_semaphore, #tpu.memory_space<semaphore_mem>>
      %dma_start3A_337 = arith.constant 0 : i32
      %dma_start3A_338 = tpu.memref_slice %arg17[%run_scoped3A_37, %dma_start3A_337] : memref<4x128xi32, #tpu.memory_space<vmem>> -> memref<1x128xi32, #tpu.memory_space<vmem>>
      %dma_start3A_339 = tpu.memref_squeeze %dma_start3A_338 : memref<1x128xi32, #tpu.memory_space<vmem>> -> memref<128xi32, #tpu.memory_space<vmem>>
      %dma_start3A_340 = tpu.memref_slice %arg7[%add3A_36] : memref<16384xi32, #tpu.memory_space<hbm>> -> memref<128xi32, #tpu.memory_space<hbm>>
      %dma_start3A_341 = arith.constant 0 : i32
      %dma_start3A_342 = tpu.memref_slice %arg17[%run_scoped3A_37, %dma_start3A_341] : memref<4x128xi32, #tpu.memory_space<vmem>> -> memref<1x128xi32, #tpu.memory_space<vmem>>
      %dma_start3A_343 = tpu.memref_squeeze %dma_start3A_342 : memref<1x128xi32, #tpu.memory_space<vmem>> -> memref<128xi32, #tpu.memory_space<vmem>>
      %dma_start3A_344 = tpu.memref_slice %arg7[%add3A_36] : memref<16384xi32, #tpu.memory_space<hbm>> -> memref<128xi32, #tpu.memory_space<hbm>>
      tpu.enqueue_dma source(%dma_start3A_344 : memref<128xi32, #tpu.memory_space<hbm>>) target(%dma_start3A_343 : memref<128xi32, #tpu.memory_space<vmem>>) target_semaphore(%run_scoped3A_336 : memref<!tpu.dma_semaphore, #tpu.memory_space<semaphore_mem>>)
      %dma_wait3A_345 = arith.constant 0 : i32
      %dma_wait3A_346 = tpu.memref_slice %arg17[%run_scoped3A_37, %dma_wait3A_345] : memref<4x128xi32, #tpu.memory_space<vmem>> -> memref<1x128xi32, #tpu.memory_space<vmem>>
      %dma_wait3A_347 = tpu.memref_squeeze %dma_wait3A_346 : memref<1x128xi32, #tpu.memory_space<vmem>> -> memref<128xi32, #tpu.memory_space<vmem>>
      %dma_wait3A_348 = tpu.memref_slice %arg7[%add3A_36] : memref<16384xi32, #tpu.memory_space<hbm>> -> memref<128xi32, #tpu.memory_space<hbm>>
      %dma_wait3A_349 = arith.constant 0 : i32
      %dma_wait3A_350 = tpu.memref_slice %arg17[%run_scoped3A_37, %dma_wait3A_349] : memref<4x128xi32, #tpu.memory_space<vmem>> -> memref<1x128xi32, #tpu.memory_space<vmem>>
      %dma_wait3A_351 = tpu.memref_squeeze %dma_wait3A_350 : memref<1x128xi32, #tpu.memory_space<vmem>> -> memref<128xi32, #tpu.memory_space<vmem>>
      %dma_wait3A_352 = tpu.memref_slice %arg7[%add3A_36] : memref<16384xi32, #tpu.memory_space<hbm>> -> memref<128xi32, #tpu.memory_space<hbm>>
      tpu.wait_dma2 semaphore(%run_scoped3A_336 : memref<!tpu.dma_semaphore, #tpu.memory_space<semaphore_mem>>) src(%dma_wait3A_352 : memref<128xi32, #tpu.memory_space<hbm>>) dst(%dma_wait3A_351 : memref<128xi32, #tpu.memory_space<vmem>>)
      tpu.yield
    }) : () -> ()
    %dma_start3A = arith.constant 0 : i32
    %dma_start3A_38 = arith.constant 0 : i32
    %dma_start3A_39 = arith.constant 0 : i32
    %dma_start3A_40 = arith.constant 0 : i32
    %dma_start3A_41 = tpu.memref_slice %arg18[%dma_start3A, %dma_start3A_38, %dma_start3A_39, %dma_start3A_40] : memref<3x4x128x32xf32, #tpu.memory_space<vmem>> -> memref<1x1x128x32xf32, #tpu.memory_space<vmem>>
    %dma_start3A_42 = tpu.memref_squeeze %dma_start3A_41 : memref<1x1x128x32xf32, #tpu.memory_space<vmem>> -> memref<128x32xf32, #tpu.memory_space<vmem>>
    %dma_start3A_43 = arith.constant 0 : i32
    %dma_start3A_44 = tpu.memref_slice %arg12[%dma_start3A_43] : memref<512xi32, #tpu.memory_space<vmem>> -> memref<128xi32, #tpu.memory_space<vmem>>
    %dma_start3A_45 = arith.constant 0 : i32
    %dma_start3A_46 = arith.constant 0 : i32
    %dma_start3A_47 = tpu.memref_slice %arg8[%dma_start3A_45, %dma_start3A_46] : memref<1000000x32xf32, #tpu.memory_space<hbm>> -> memref<1000000x32xf32, #tpu.memory_space<hbm>>
    tpu.enqueue_indirect_dma source(%dma_start3A_47 : memref<1000000x32xf32, #tpu.memory_space<hbm>>) target(%dma_start3A_42 : memref<128x32xf32, #tpu.memory_space<vmem>>) offsets(%dma_start3A_44 : memref<128xi32, #tpu.memory_space<vmem>>) semaphore(%arg19 : memref<!tpu.dma_semaphore, #tpu.memory_space<semaphore_mem>>)
    %dma_start3A_48 = arith.constant 1 : i32
    %dma_start3A_49 = arith.constant 0 : i32
    %dma_start3A_50 = arith.constant 0 : i32
    %dma_start3A_51 = arith.constant 0 : i32
    %dma_start3A_52 = tpu.memref_slice %arg18[%dma_start3A_48, %dma_start3A_49, %dma_start3A_50, %dma_start3A_51] : memref<3x4x128x32xf32, #tpu.memory_space<vmem>> -> memref<1x1x128x32xf32, #tpu.memory_space<vmem>>
    %dma_start3A_53 = tpu.memref_squeeze %dma_start3A_52 : memref<1x1x128x32xf32, #tpu.memory_space<vmem>> -> memref<128x32xf32, #tpu.memory_space<vmem>>
    %dma_start3A_54 = arith.constant 0 : i32
    %dma_start3A_55 = tpu.memref_slice %arg13[%dma_start3A_54] : memref<512xi32, #tpu.memory_space<vmem>> -> memref<128xi32, #tpu.memory_space<vmem>>
    %dma_start3A_56 = arith.constant 0 : i32
    %dma_start3A_57 = arith.constant 0 : i32
    %dma_start3A_58 = tpu.memref_slice %arg9[%dma_start3A_56, %dma_start3A_57] : memref<100000x32xf32, #tpu.memory_space<hbm>> -> memref<100000x32xf32, #tpu.memory_space<hbm>>
    tpu.enqueue_indirect_dma source(%dma_start3A_58 : memref<100000x32xf32, #tpu.memory_space<hbm>>) target(%dma_start3A_53 : memref<128x32xf32, #tpu.memory_space<vmem>>) offsets(%dma_start3A_55 : memref<128xi32, #tpu.memory_space<vmem>>) semaphore(%arg19 : memref<!tpu.dma_semaphore, #tpu.memory_space<semaphore_mem>>)
    %dma_start3A_59 = arith.constant 2 : i32
    %dma_start3A_60 = arith.constant 0 : i32
    %dma_start3A_61 = arith.constant 0 : i32
    %dma_start3A_62 = arith.constant 0 : i32
    %dma_start3A_63 = tpu.memref_slice %arg18[%dma_start3A_59, %dma_start3A_60, %dma_start3A_61, %dma_start3A_62] : memref<3x4x128x32xf32, #tpu.memory_space<vmem>> -> memref<1x1x128x32xf32, #tpu.memory_space<vmem>>
    %dma_start3A_64 = tpu.memref_squeeze %dma_start3A_63 : memref<1x1x128x32xf32, #tpu.memory_space<vmem>> -> memref<128x32xf32, #tpu.memory_space<vmem>>
    %dma_start3A_65 = arith.constant 0 : i32
    %dma_start3A_66 = tpu.memref_slice %arg14[%dma_start3A_65] : memref<512xi32, #tpu.memory_space<vmem>> -> memref<128xi32, #tpu.memory_space<vmem>>
    %dma_start3A_67 = arith.constant 0 : i32
    %dma_start3A_68 = arith.constant 0 : i32
    %dma_start3A_69 = tpu.memref_slice %arg10[%dma_start3A_67, %dma_start3A_68] : memref<1000x32xf32, #tpu.memory_space<hbm>> -> memref<1000x32xf32, #tpu.memory_space<hbm>>
    tpu.enqueue_indirect_dma source(%dma_start3A_69 : memref<1000x32xf32, #tpu.memory_space<hbm>>) target(%dma_start3A_64 : memref<128x32xf32, #tpu.memory_space<vmem>>) offsets(%dma_start3A_66 : memref<128xi32, #tpu.memory_space<vmem>>) semaphore(%arg19 : memref<!tpu.dma_semaphore, #tpu.memory_space<semaphore_mem>>)
    %dma_start3A_70 = arith.constant 0 : i32
    %dma_start3A_71 = arith.constant 1 : i32
    %dma_start3A_72 = arith.constant 0 : i32
    %dma_start3A_73 = arith.constant 0 : i32
    %dma_start3A_74 = tpu.memref_slice %arg18[%dma_start3A_70, %dma_start3A_71, %dma_start3A_72, %dma_start3A_73] : memref<3x4x128x32xf32, #tpu.memory_space<vmem>> -> memref<1x1x128x32xf32, #tpu.memory_space<vmem>>
    %dma_start3A_75 = tpu.memref_squeeze %dma_start3A_74 : memref<1x1x128x32xf32, #tpu.memory_space<vmem>> -> memref<128x32xf32, #tpu.memory_space<vmem>>
    %dma_start3A_76 = arith.constant 128 : i32
    %dma_start3A_77 = tpu.memref_slice %arg12[%dma_start3A_76] : memref<512xi32, #tpu.memory_space<vmem>> -> memref<128xi32, #tpu.memory_space<vmem>>
    %dma_start3A_78 = arith.constant 0 : i32
    %dma_start3A_79 = arith.constant 0 : i32
    %dma_start3A_80 = tpu.memref_slice %arg8[%dma_start3A_78, %dma_start3A_79] : memref<1000000x32xf32, #tpu.memory_space<hbm>> -> memref<1000000x32xf32, #tpu.memory_space<hbm>>
    tpu.enqueue_indirect_dma source(%dma_start3A_80 : memref<1000000x32xf32, #tpu.memory_space<hbm>>) target(%dma_start3A_75 : memref<128x32xf32, #tpu.memory_space<vmem>>) offsets(%dma_start3A_77 : memref<128xi32, #tpu.memory_space<vmem>>) semaphore(%arg19 : memref<!tpu.dma_semaphore, #tpu.memory_space<semaphore_mem>>)
    %dma_start3A_81 = arith.constant 1 : i32
    %dma_start3A_82 = arith.constant 1 : i32
    %dma_start3A_83 = arith.constant 0 : i32
    %dma_start3A_84 = arith.constant 0 : i32
    %dma_start3A_85 = tpu.memref_slice %arg18[%dma_start3A_81, %dma_start3A_82, %dma_start3A_83, %dma_start3A_84] : memref<3x4x128x32xf32, #tpu.memory_space<vmem>> -> memref<1x1x128x32xf32, #tpu.memory_space<vmem>>
    %dma_start3A_86 = tpu.memref_squeeze %dma_start3A_85 : memref<1x1x128x32xf32, #tpu.memory_space<vmem>> -> memref<128x32xf32, #tpu.memory_space<vmem>>
    %dma_start3A_87 = arith.constant 128 : i32
    %dma_start3A_88 = tpu.memref_slice %arg13[%dma_start3A_87] : memref<512xi32, #tpu.memory_space<vmem>> -> memref<128xi32, #tpu.memory_space<vmem>>
    %dma_start3A_89 = arith.constant 0 : i32
    %dma_start3A_90 = arith.constant 0 : i32
    %dma_start3A_91 = tpu.memref_slice %arg9[%dma_start3A_89, %dma_start3A_90] : memref<100000x32xf32, #tpu.memory_space<hbm>> -> memref<100000x32xf32, #tpu.memory_space<hbm>>
    tpu.enqueue_indirect_dma source(%dma_start3A_91 : memref<100000x32xf32, #tpu.memory_space<hbm>>) target(%dma_start3A_86 : memref<128x32xf32, #tpu.memory_space<vmem>>) offsets(%dma_start3A_88 : memref<128xi32, #tpu.memory_space<vmem>>) semaphore(%arg19 : memref<!tpu.dma_semaphore, #tpu.memory_space<semaphore_mem>>)
    %dma_start3A_92 = arith.constant 2 : i32
    %dma_start3A_93 = arith.constant 1 : i32
    %dma_start3A_94 = arith.constant 0 : i32
    %dma_start3A_95 = arith.constant 0 : i32
    %dma_start3A_96 = tpu.memref_slice %arg18[%dma_start3A_92, %dma_start3A_93, %dma_start3A_94, %dma_start3A_95] : memref<3x4x128x32xf32, #tpu.memory_space<vmem>> -> memref<1x1x128x32xf32, #tpu.memory_space<vmem>>
    %dma_start3A_97 = tpu.memref_squeeze %dma_start3A_96 : memref<1x1x128x32xf32, #tpu.memory_space<vmem>> -> memref<128x32xf32, #tpu.memory_space<vmem>>
    %dma_start3A_98 = arith.constant 128 : i32
    %dma_start3A_99 = tpu.memref_slice %arg14[%dma_start3A_98] : memref<512xi32, #tpu.memory_space<vmem>> -> memref<128xi32, #tpu.memory_space<vmem>>
    %dma_start3A_100 = arith.constant 0 : i32
    %dma_start3A_101 = arith.constant 0 : i32
    %dma_start3A_102 = tpu.memref_slice %arg10[%dma_start3A_100, %dma_start3A_101] : memref<1000x32xf32, #tpu.memory_space<hbm>> -> memref<1000x32xf32, #tpu.memory_space<hbm>>
    tpu.enqueue_indirect_dma source(%dma_start3A_102 : memref<1000x32xf32, #tpu.memory_space<hbm>>) target(%dma_start3A_97 : memref<128x32xf32, #tpu.memory_space<vmem>>) offsets(%dma_start3A_99 : memref<128xi32, #tpu.memory_space<vmem>>) semaphore(%arg19 : memref<!tpu.dma_semaphore, #tpu.memory_space<semaphore_mem>>)
    %dma_start3A_103 = arith.constant 0 : i32
    %dma_start3A_104 = arith.constant 2 : i32
    %dma_start3A_105 = arith.constant 0 : i32
    %dma_start3A_106 = arith.constant 0 : i32
    %dma_start3A_107 = tpu.memref_slice %arg18[%dma_start3A_103, %dma_start3A_104, %dma_start3A_105, %dma_start3A_106] : memref<3x4x128x32xf32, #tpu.memory_space<vmem>> -> memref<1x1x128x32xf32, #tpu.memory_space<vmem>>
    %dma_start3A_108 = tpu.memref_squeeze %dma_start3A_107 : memref<1x1x128x32xf32, #tpu.memory_space<vmem>> -> memref<128x32xf32, #tpu.memory_space<vmem>>
    %dma_start3A_109 = arith.constant 256 : i32
    %dma_start3A_110 = tpu.memref_slice %arg12[%dma_start3A_109] : memref<512xi32, #tpu.memory_space<vmem>> -> memref<128xi32, #tpu.memory_space<vmem>>
    %dma_start3A_111 = arith.constant 0 : i32
    %dma_start3A_112 = arith.constant 0 : i32
    %dma_start3A_113 = tpu.memref_slice %arg8[%dma_start3A_111, %dma_start3A_112] : memref<1000000x32xf32, #tpu.memory_space<hbm>> -> memref<1000000x32xf32, #tpu.memory_space<hbm>>
    tpu.enqueue_indirect_dma source(%dma_start3A_113 : memref<1000000x32xf32, #tpu.memory_space<hbm>>) target(%dma_start3A_108 : memref<128x32xf32, #tpu.memory_space<vmem>>) offsets(%dma_start3A_110 : memref<128xi32, #tpu.memory_space<vmem>>) semaphore(%arg19 : memref<!tpu.dma_semaphore, #tpu.memory_space<semaphore_mem>>)
    %dma_start3A_114 = arith.constant 1 : i32
    %dma_start3A_115 = arith.constant 2 : i32
    %dma_start3A_116 = arith.constant 0 : i32
    %dma_start3A_117 = arith.constant 0 : i32
    %dma_start3A_118 = tpu.memref_slice %arg18[%dma_start3A_114, %dma_start3A_115, %dma_start3A_116, %dma_start3A_117] : memref<3x4x128x32xf32, #tpu.memory_space<vmem>> -> memref<1x1x128x32xf32, #tpu.memory_space<vmem>>
    %dma_start3A_119 = tpu.memref_squeeze %dma_start3A_118 : memref<1x1x128x32xf32, #tpu.memory_space<vmem>> -> memref<128x32xf32, #tpu.memory_space<vmem>>
    %dma_start3A_120 = arith.constant 256 : i32
    %dma_start3A_121 = tpu.memref_slice %arg13[%dma_start3A_120] : memref<512xi32, #tpu.memory_space<vmem>> -> memref<128xi32, #tpu.memory_space<vmem>>
    %dma_start3A_122 = arith.constant 0 : i32
    %dma_start3A_123 = arith.constant 0 : i32
    %dma_start3A_124 = tpu.memref_slice %arg9[%dma_start3A_122, %dma_start3A_123] : memref<100000x32xf32, #tpu.memory_space<hbm>> -> memref<100000x32xf32, #tpu.memory_space<hbm>>
    tpu.enqueue_indirect_dma source(%dma_start3A_124 : memref<100000x32xf32, #tpu.memory_space<hbm>>) target(%dma_start3A_119 : memref<128x32xf32, #tpu.memory_space<vmem>>) offsets(%dma_start3A_121 : memref<128xi32, #tpu.memory_space<vmem>>) semaphore(%arg19 : memref<!tpu.dma_semaphore, #tpu.memory_space<semaphore_mem>>)
    %dma_start3A_125 = arith.constant 2 : i32
    %dma_start3A_126 = arith.constant 2 : i32
    %dma_start3A_127 = arith.constant 0 : i32
    %dma_start3A_128 = arith.constant 0 : i32
    %dma_start3A_129 = tpu.memref_slice %arg18[%dma_start3A_125, %dma_start3A_126, %dma_start3A_127, %dma_start3A_128] : memref<3x4x128x32xf32, #tpu.memory_space<vmem>> -> memref<1x1x128x32xf32, #tpu.memory_space<vmem>>
    %dma_start3A_130 = tpu.memref_squeeze %dma_start3A_129 : memref<1x1x128x32xf32, #tpu.memory_space<vmem>> -> memref<128x32xf32, #tpu.memory_space<vmem>>
    %dma_start3A_131 = arith.constant 256 : i32
    %dma_start3A_132 = tpu.memref_slice %arg14[%dma_start3A_131] : memref<512xi32, #tpu.memory_space<vmem>> -> memref<128xi32, #tpu.memory_space<vmem>>
    %dma_start3A_133 = arith.constant 0 : i32
    %dma_start3A_134 = arith.constant 0 : i32
    %dma_start3A_135 = tpu.memref_slice %arg10[%dma_start3A_133, %dma_start3A_134] : memref<1000x32xf32, #tpu.memory_space<hbm>> -> memref<1000x32xf32, #tpu.memory_space<hbm>>
    tpu.enqueue_indirect_dma source(%dma_start3A_135 : memref<1000x32xf32, #tpu.memory_space<hbm>>) target(%dma_start3A_130 : memref<128x32xf32, #tpu.memory_space<vmem>>) offsets(%dma_start3A_132 : memref<128xi32, #tpu.memory_space<vmem>>) semaphore(%arg19 : memref<!tpu.dma_semaphore, #tpu.memory_space<semaphore_mem>>)
    %dma_start3A_136 = arith.constant 0 : i32
    %dma_start3A_137 = arith.constant 3 : i32
    %dma_start3A_138 = arith.constant 0 : i32
    %dma_start3A_139 = arith.constant 0 : i32
    %dma_start3A_140 = tpu.memref_slice %arg18[%dma_start3A_136, %dma_start3A_137, %dma_start3A_138, %dma_start3A_139] : memref<3x4x128x32xf32, #tpu.memory_space<vmem>> -> memref<1x1x128x32xf32, #tpu.memory_space<vmem>>
    %dma_start3A_141 = tpu.memref_squeeze %dma_start3A_140 : memref<1x1x128x32xf32, #tpu.memory_space<vmem>> -> memref<128x32xf32, #tpu.memory_space<vmem>>
    %dma_start3A_142 = arith.constant 384 : i32
    %dma_start3A_143 = tpu.memref_slice %arg12[%dma_start3A_142] : memref<512xi32, #tpu.memory_space<vmem>> -> memref<128xi32, #tpu.memory_space<vmem>>
    %dma_start3A_144 = arith.constant 0 : i32
    %dma_start3A_145 = arith.constant 0 : i32
    %dma_start3A_146 = tpu.memref_slice %arg8[%dma_start3A_144, %dma_start3A_145] : memref<1000000x32xf32, #tpu.memory_space<hbm>> -> memref<1000000x32xf32, #tpu.memory_space<hbm>>
    tpu.enqueue_indirect_dma source(%dma_start3A_146 : memref<1000000x32xf32, #tpu.memory_space<hbm>>) target(%dma_start3A_141 : memref<128x32xf32, #tpu.memory_space<vmem>>) offsets(%dma_start3A_143 : memref<128xi32, #tpu.memory_space<vmem>>) semaphore(%arg19 : memref<!tpu.dma_semaphore, #tpu.memory_space<semaphore_mem>>)
    %dma_start3A_147 = arith.constant 1 : i32
    %dma_start3A_148 = arith.constant 3 : i32
    %dma_start3A_149 = arith.constant 0 : i32
    %dma_start3A_150 = arith.constant 0 : i32
    %dma_start3A_151 = tpu.memref_slice %arg18[%dma_start3A_147, %dma_start3A_148, %dma_start3A_149, %dma_start3A_150] : memref<3x4x128x32xf32, #tpu.memory_space<vmem>> -> memref<1x1x128x32xf32, #tpu.memory_space<vmem>>
    %dma_start3A_152 = tpu.memref_squeeze %dma_start3A_151 : memref<1x1x128x32xf32, #tpu.memory_space<vmem>> -> memref<128x32xf32, #tpu.memory_space<vmem>>
    %dma_start3A_153 = arith.constant 384 : i32
    %dma_start3A_154 = tpu.memref_slice %arg13[%dma_start3A_153] : memref<512xi32, #tpu.memory_space<vmem>> -> memref<128xi32, #tpu.memory_space<vmem>>
    %dma_start3A_155 = arith.constant 0 : i32
    %dma_start3A_156 = arith.constant 0 : i32
    %dma_start3A_157 = tpu.memref_slice %arg9[%dma_start3A_155, %dma_start3A_156] : memref<100000x32xf32, #tpu.memory_space<hbm>> -> memref<100000x32xf32, #tpu.memory_space<hbm>>
    tpu.enqueue_indirect_dma source(%dma_start3A_157 : memref<100000x32xf32, #tpu.memory_space<hbm>>) target(%dma_start3A_152 : memref<128x32xf32, #tpu.memory_space<vmem>>) offsets(%dma_start3A_154 : memref<128xi32, #tpu.memory_space<vmem>>) semaphore(%arg19 : memref<!tpu.dma_semaphore, #tpu.memory_space<semaphore_mem>>)
    %dma_start3A_158 = arith.constant 2 : i32
    %dma_start3A_159 = arith.constant 3 : i32
    %dma_start3A_160 = arith.constant 0 : i32
    %dma_start3A_161 = arith.constant 0 : i32
    %dma_start3A_162 = tpu.memref_slice %arg18[%dma_start3A_158, %dma_start3A_159, %dma_start3A_160, %dma_start3A_161] : memref<3x4x128x32xf32, #tpu.memory_space<vmem>> -> memref<1x1x128x32xf32, #tpu.memory_space<vmem>>
    %dma_start3A_163 = tpu.memref_squeeze %dma_start3A_162 : memref<1x1x128x32xf32, #tpu.memory_space<vmem>> -> memref<128x32xf32, #tpu.memory_space<vmem>>
    %dma_start3A_164 = arith.constant 384 : i32
    %dma_start3A_165 = tpu.memref_slice %arg14[%dma_start3A_164] : memref<512xi32, #tpu.memory_space<vmem>> -> memref<128xi32, #tpu.memory_space<vmem>>
    %dma_start3A_166 = arith.constant 0 : i32
    %dma_start3A_167 = arith.constant 0 : i32
    %dma_start3A_168 = tpu.memref_slice %arg10[%dma_start3A_166, %dma_start3A_167] : memref<1000x32xf32, #tpu.memory_space<hbm>> -> memref<1000x32xf32, #tpu.memory_space<hbm>>
    tpu.enqueue_indirect_dma source(%dma_start3A_168 : memref<1000x32xf32, #tpu.memory_space<hbm>>) target(%dma_start3A_163 : memref<128x32xf32, #tpu.memory_space<vmem>>) offsets(%dma_start3A_165 : memref<128xi32, #tpu.memory_space<vmem>>) semaphore(%arg19 : memref<!tpu.dma_semaphore, #tpu.memory_space<semaphore_mem>>)
    %dma_wait3A = arith.constant 0 : i32
    %dma_wait3A_169 = arith.constant 0 : i32
    %dma_wait3A_170 = arith.constant 0 : i32
    %dma_wait3A_171 = arith.constant 0 : i32
    %dma_wait3A_172 = tpu.memref_slice %arg18[%dma_wait3A, %dma_wait3A_169, %dma_wait3A_170, %dma_wait3A_171] : memref<3x4x128x32xf32, #tpu.memory_space<vmem>> -> memref<1x1x128x32xf32, #tpu.memory_space<vmem>>
    %dma_wait3A_173 = tpu.memref_squeeze %dma_wait3A_172 : memref<1x1x128x32xf32, #tpu.memory_space<vmem>> -> memref<128x32xf32, #tpu.memory_space<vmem>>
    %dma_wait3A_174 = arith.constant 0 : i32
    %dma_wait3A_175 = tpu.memref_slice %arg12[%dma_wait3A_174] : memref<512xi32, #tpu.memory_space<vmem>> -> memref<128xi32, #tpu.memory_space<vmem>>
    %dma_wait3A_176 = arith.constant 0 : i32
    %dma_wait3A_177 = arith.constant 0 : i32
    %dma_wait3A_178 = tpu.memref_slice %arg8[%dma_wait3A_176, %dma_wait3A_177] : memref<1000000x32xf32, #tpu.memory_space<hbm>> -> memref<1000000x32xf32, #tpu.memory_space<hbm>>
    tpu.wait_indirect_dma semaphore(%arg19 : memref<!tpu.dma_semaphore, #tpu.memory_space<semaphore_mem>>) src(%dma_wait3A_178 : memref<1000000x32xf32, #tpu.memory_space<hbm>>) dst(%dma_wait3A_173 : memref<128x32xf32, #tpu.memory_space<vmem>>)
    %dma_wait3A_179 = arith.constant 1 : i32
    %dma_wait3A_180 = arith.constant 0 : i32
    %dma_wait3A_181 = arith.constant 0 : i32
    %dma_wait3A_182 = arith.constant 0 : i32
    %dma_wait3A_183 = tpu.memref_slice %arg18[%dma_wait3A_179, %dma_wait3A_180, %dma_wait3A_181, %dma_wait3A_182] : memref<3x4x128x32xf32, #tpu.memory_space<vmem>> -> memref<1x1x128x32xf32, #tpu.memory_space<vmem>>
    %dma_wait3A_184 = tpu.memref_squeeze %dma_wait3A_183 : memref<1x1x128x32xf32, #tpu.memory_space<vmem>> -> memref<128x32xf32, #tpu.memory_space<vmem>>
    %dma_wait3A_185 = arith.constant 0 : i32
    %dma_wait3A_186 = tpu.memref_slice %arg13[%dma_wait3A_185] : memref<512xi32, #tpu.memory_space<vmem>> -> memref<128xi32, #tpu.memory_space<vmem>>
    %dma_wait3A_187 = arith.constant 0 : i32
    %dma_wait3A_188 = arith.constant 0 : i32
    %dma_wait3A_189 = tpu.memref_slice %arg9[%dma_wait3A_187, %dma_wait3A_188] : memref<100000x32xf32, #tpu.memory_space<hbm>> -> memref<100000x32xf32, #tpu.memory_space<hbm>>
    tpu.wait_indirect_dma semaphore(%arg19 : memref<!tpu.dma_semaphore, #tpu.memory_space<semaphore_mem>>) src(%dma_wait3A_189 : memref<100000x32xf32, #tpu.memory_space<hbm>>) dst(%dma_wait3A_184 : memref<128x32xf32, #tpu.memory_space<vmem>>)
    %dma_wait3A_190 = arith.constant 2 : i32
    %dma_wait3A_191 = arith.constant 0 : i32
    %dma_wait3A_192 = arith.constant 0 : i32
    %dma_wait3A_193 = arith.constant 0 : i32
    %dma_wait3A_194 = tpu.memref_slice %arg18[%dma_wait3A_190, %dma_wait3A_191, %dma_wait3A_192, %dma_wait3A_193] : memref<3x4x128x32xf32, #tpu.memory_space<vmem>> -> memref<1x1x128x32xf32, #tpu.memory_space<vmem>>
    %dma_wait3A_195 = tpu.memref_squeeze %dma_wait3A_194 : memref<1x1x128x32xf32, #tpu.memory_space<vmem>> -> memref<128x32xf32, #tpu.memory_space<vmem>>
    %dma_wait3A_196 = arith.constant 0 : i32
    %dma_wait3A_197 = tpu.memref_slice %arg14[%dma_wait3A_196] : memref<512xi32, #tpu.memory_space<vmem>> -> memref<128xi32, #tpu.memory_space<vmem>>
    %dma_wait3A_198 = arith.constant 0 : i32
    %dma_wait3A_199 = arith.constant 0 : i32
    %dma_wait3A_200 = tpu.memref_slice %arg10[%dma_wait3A_198, %dma_wait3A_199] : memref<1000x32xf32, #tpu.memory_space<hbm>> -> memref<1000x32xf32, #tpu.memory_space<hbm>>
    tpu.wait_indirect_dma semaphore(%arg19 : memref<!tpu.dma_semaphore, #tpu.memory_space<semaphore_mem>>) src(%dma_wait3A_200 : memref<1000x32xf32, #tpu.memory_space<hbm>>) dst(%dma_wait3A_195 : memref<128x32xf32, #tpu.memory_space<vmem>>)
    %dma_wait3A_201 = arith.constant 0 : i32
    %dma_wait3A_202 = arith.constant 1 : i32
    %dma_wait3A_203 = arith.constant 0 : i32
    %dma_wait3A_204 = arith.constant 0 : i32
    %dma_wait3A_205 = tpu.memref_slice %arg18[%dma_wait3A_201, %dma_wait3A_202, %dma_wait3A_203, %dma_wait3A_204] : memref<3x4x128x32xf32, #tpu.memory_space<vmem>> -> memref<1x1x128x32xf32, #tpu.memory_space<vmem>>
    %dma_wait3A_206 = tpu.memref_squeeze %dma_wait3A_205 : memref<1x1x128x32xf32, #tpu.memory_space<vmem>> -> memref<128x32xf32, #tpu.memory_space<vmem>>
    %dma_wait3A_207 = arith.constant 128 : i32
    %dma_wait3A_208 = tpu.memref_slice %arg12[%dma_wait3A_207] : memref<512xi32, #tpu.memory_space<vmem>> -> memref<128xi32, #tpu.memory_space<vmem>>
    %dma_wait3A_209 = arith.constant 0 : i32
    %dma_wait3A_210 = arith.constant 0 : i32
    %dma_wait3A_211 = tpu.memref_slice %arg8[%dma_wait3A_209, %dma_wait3A_210] : memref<1000000x32xf32, #tpu.memory_space<hbm>> -> memref<1000000x32xf32, #tpu.memory_space<hbm>>
    tpu.wait_indirect_dma semaphore(%arg19 : memref<!tpu.dma_semaphore, #tpu.memory_space<semaphore_mem>>) src(%dma_wait3A_211 : memref<1000000x32xf32, #tpu.memory_space<hbm>>) dst(%dma_wait3A_206 : memref<128x32xf32, #tpu.memory_space<vmem>>)
    %dma_wait3A_212 = arith.constant 1 : i32
    %dma_wait3A_213 = arith.constant 1 : i32
    %dma_wait3A_214 = arith.constant 0 : i32
    %dma_wait3A_215 = arith.constant 0 : i32
    %dma_wait3A_216 = tpu.memref_slice %arg18[%dma_wait3A_212, %dma_wait3A_213, %dma_wait3A_214, %dma_wait3A_215] : memref<3x4x128x32xf32, #tpu.memory_space<vmem>> -> memref<1x1x128x32xf32, #tpu.memory_space<vmem>>
    %dma_wait3A_217 = tpu.memref_squeeze %dma_wait3A_216 : memref<1x1x128x32xf32, #tpu.memory_space<vmem>> -> memref<128x32xf32, #tpu.memory_space<vmem>>
    %dma_wait3A_218 = arith.constant 128 : i32
    %dma_wait3A_219 = tpu.memref_slice %arg13[%dma_wait3A_218] : memref<512xi32, #tpu.memory_space<vmem>> -> memref<128xi32, #tpu.memory_space<vmem>>
    %dma_wait3A_220 = arith.constant 0 : i32
    %dma_wait3A_221 = arith.constant 0 : i32
    %dma_wait3A_222 = tpu.memref_slice %arg9[%dma_wait3A_220, %dma_wait3A_221] : memref<100000x32xf32, #tpu.memory_space<hbm>> -> memref<100000x32xf32, #tpu.memory_space<hbm>>
    tpu.wait_indirect_dma semaphore(%arg19 : memref<!tpu.dma_semaphore, #tpu.memory_space<semaphore_mem>>) src(%dma_wait3A_222 : memref<100000x32xf32, #tpu.memory_space<hbm>>) dst(%dma_wait3A_217 : memref<128x32xf32, #tpu.memory_space<vmem>>)
    %dma_wait3A_223 = arith.constant 2 : i32
    %dma_wait3A_224 = arith.constant 1 : i32
    %dma_wait3A_225 = arith.constant 0 : i32
    %dma_wait3A_226 = arith.constant 0 : i32
    %dma_wait3A_227 = tpu.memref_slice %arg18[%dma_wait3A_223, %dma_wait3A_224, %dma_wait3A_225, %dma_wait3A_226] : memref<3x4x128x32xf32, #tpu.memory_space<vmem>> -> memref<1x1x128x32xf32, #tpu.memory_space<vmem>>
    %dma_wait3A_228 = tpu.memref_squeeze %dma_wait3A_227 : memref<1x1x128x32xf32, #tpu.memory_space<vmem>> -> memref<128x32xf32, #tpu.memory_space<vmem>>
    %dma_wait3A_229 = arith.constant 128 : i32
    %dma_wait3A_230 = tpu.memref_slice %arg14[%dma_wait3A_229] : memref<512xi32, #tpu.memory_space<vmem>> -> memref<128xi32, #tpu.memory_space<vmem>>
    %dma_wait3A_231 = arith.constant 0 : i32
    %dma_wait3A_232 = arith.constant 0 : i32
    %dma_wait3A_233 = tpu.memref_slice %arg10[%dma_wait3A_231, %dma_wait3A_232] : memref<1000x32xf32, #tpu.memory_space<hbm>> -> memref<1000x32xf32, #tpu.memory_space<hbm>>
    tpu.wait_indirect_dma semaphore(%arg19 : memref<!tpu.dma_semaphore, #tpu.memory_space<semaphore_mem>>) src(%dma_wait3A_233 : memref<1000x32xf32, #tpu.memory_space<hbm>>) dst(%dma_wait3A_228 : memref<128x32xf32, #tpu.memory_space<vmem>>)
    %dma_wait3A_234 = arith.constant 0 : i32
    %dma_wait3A_235 = arith.constant 2 : i32
    %dma_wait3A_236 = arith.constant 0 : i32
    %dma_wait3A_237 = arith.constant 0 : i32
    %dma_wait3A_238 = tpu.memref_slice %arg18[%dma_wait3A_234, %dma_wait3A_235, %dma_wait3A_236, %dma_wait3A_237] : memref<3x4x128x32xf32, #tpu.memory_space<vmem>> -> memref<1x1x128x32xf32, #tpu.memory_space<vmem>>
    %dma_wait3A_239 = tpu.memref_squeeze %dma_wait3A_238 : memref<1x1x128x32xf32, #tpu.memory_space<vmem>> -> memref<128x32xf32, #tpu.memory_space<vmem>>
    %dma_wait3A_240 = arith.constant 256 : i32
    %dma_wait3A_241 = tpu.memref_slice %arg12[%dma_wait3A_240] : memref<512xi32, #tpu.memory_space<vmem>> -> memref<128xi32, #tpu.memory_space<vmem>>
    %dma_wait3A_242 = arith.constant 0 : i32
    %dma_wait3A_243 = arith.constant 0 : i32
    %dma_wait3A_244 = tpu.memref_slice %arg8[%dma_wait3A_242, %dma_wait3A_243] : memref<1000000x32xf32, #tpu.memory_space<hbm>> -> memref<1000000x32xf32, #tpu.memory_space<hbm>>
    tpu.wait_indirect_dma semaphore(%arg19 : memref<!tpu.dma_semaphore, #tpu.memory_space<semaphore_mem>>) src(%dma_wait3A_244 : memref<1000000x32xf32, #tpu.memory_space<hbm>>) dst(%dma_wait3A_239 : memref<128x32xf32, #tpu.memory_space<vmem>>)
    %dma_wait3A_245 = arith.constant 1 : i32
    %dma_wait3A_246 = arith.constant 2 : i32
    %dma_wait3A_247 = arith.constant 0 : i32
    %dma_wait3A_248 = arith.constant 0 : i32
    %dma_wait3A_249 = tpu.memref_slice %arg18[%dma_wait3A_245, %dma_wait3A_246, %dma_wait3A_247, %dma_wait3A_248] : memref<3x4x128x32xf32, #tpu.memory_space<vmem>> -> memref<1x1x128x32xf32, #tpu.memory_space<vmem>>
    %dma_wait3A_250 = tpu.memref_squeeze %dma_wait3A_249 : memref<1x1x128x32xf32, #tpu.memory_space<vmem>> -> memref<128x32xf32, #tpu.memory_space<vmem>>
    %dma_wait3A_251 = arith.constant 256 : i32
    %dma_wait3A_252 = tpu.memref_slice %arg13[%dma_wait3A_251] : memref<512xi32, #tpu.memory_space<vmem>> -> memref<128xi32, #tpu.memory_space<vmem>>
    %dma_wait3A_253 = arith.constant 0 : i32
    %dma_wait3A_254 = arith.constant 0 : i32
    %dma_wait3A_255 = tpu.memref_slice %arg9[%dma_wait3A_253, %dma_wait3A_254] : memref<100000x32xf32, #tpu.memory_space<hbm>> -> memref<100000x32xf32, #tpu.memory_space<hbm>>
    tpu.wait_indirect_dma semaphore(%arg19 : memref<!tpu.dma_semaphore, #tpu.memory_space<semaphore_mem>>) src(%dma_wait3A_255 : memref<100000x32xf32, #tpu.memory_space<hbm>>) dst(%dma_wait3A_250 : memref<128x32xf32, #tpu.memory_space<vmem>>)
    %dma_wait3A_256 = arith.constant 2 : i32
    %dma_wait3A_257 = arith.constant 2 : i32
    %dma_wait3A_258 = arith.constant 0 : i32
    %dma_wait3A_259 = arith.constant 0 : i32
    %dma_wait3A_260 = tpu.memref_slice %arg18[%dma_wait3A_256, %dma_wait3A_257, %dma_wait3A_258, %dma_wait3A_259] : memref<3x4x128x32xf32, #tpu.memory_space<vmem>> -> memref<1x1x128x32xf32, #tpu.memory_space<vmem>>
    %dma_wait3A_261 = tpu.memref_squeeze %dma_wait3A_260 : memref<1x1x128x32xf32, #tpu.memory_space<vmem>> -> memref<128x32xf32, #tpu.memory_space<vmem>>
    %dma_wait3A_262 = arith.constant 256 : i32
    %dma_wait3A_263 = tpu.memref_slice %arg14[%dma_wait3A_262] : memref<512xi32, #tpu.memory_space<vmem>> -> memref<128xi32, #tpu.memory_space<vmem>>
    %dma_wait3A_264 = arith.constant 0 : i32
    %dma_wait3A_265 = arith.constant 0 : i32
    %dma_wait3A_266 = tpu.memref_slice %arg10[%dma_wait3A_264, %dma_wait3A_265] : memref<1000x32xf32, #tpu.memory_space<hbm>> -> memref<1000x32xf32, #tpu.memory_space<hbm>>
    tpu.wait_indirect_dma semaphore(%arg19 : memref<!tpu.dma_semaphore, #tpu.memory_space<semaphore_mem>>) src(%dma_wait3A_266 : memref<1000x32xf32, #tpu.memory_space<hbm>>) dst(%dma_wait3A_261 : memref<128x32xf32, #tpu.memory_space<vmem>>)
    %dma_wait3A_267 = arith.constant 0 : i32
    %dma_wait3A_268 = arith.constant 3 : i32
    %dma_wait3A_269 = arith.constant 0 : i32
    %dma_wait3A_270 = arith.constant 0 : i32
    %dma_wait3A_271 = tpu.memref_slice %arg18[%dma_wait3A_267, %dma_wait3A_268, %dma_wait3A_269, %dma_wait3A_270] : memref<3x4x128x32xf32, #tpu.memory_space<vmem>> -> memref<1x1x128x32xf32, #tpu.memory_space<vmem>>
    %dma_wait3A_272 = tpu.memref_squeeze %dma_wait3A_271 : memref<1x1x128x32xf32, #tpu.memory_space<vmem>> -> memref<128x32xf32, #tpu.memory_space<vmem>>
    %dma_wait3A_273 = arith.constant 384 : i32
    %dma_wait3A_274 = tpu.memref_slice %arg12[%dma_wait3A_273] : memref<512xi32, #tpu.memory_space<vmem>> -> memref<128xi32, #tpu.memory_space<vmem>>
    %dma_wait3A_275 = arith.constant 0 : i32
    %dma_wait3A_276 = arith.constant 0 : i32
    %dma_wait3A_277 = tpu.memref_slice %arg8[%dma_wait3A_275, %dma_wait3A_276] : memref<1000000x32xf32, #tpu.memory_space<hbm>> -> memref<1000000x32xf32, #tpu.memory_space<hbm>>
    tpu.wait_indirect_dma semaphore(%arg19 : memref<!tpu.dma_semaphore, #tpu.memory_space<semaphore_mem>>) src(%dma_wait3A_277 : memref<1000000x32xf32, #tpu.memory_space<hbm>>) dst(%dma_wait3A_272 : memref<128x32xf32, #tpu.memory_space<vmem>>)
    %dma_wait3A_278 = arith.constant 1 : i32
    %dma_wait3A_279 = arith.constant 3 : i32
    %dma_wait3A_280 = arith.constant 0 : i32
    %dma_wait3A_281 = arith.constant 0 : i32
    %dma_wait3A_282 = tpu.memref_slice %arg18[%dma_wait3A_278, %dma_wait3A_279, %dma_wait3A_280, %dma_wait3A_281] : memref<3x4x128x32xf32, #tpu.memory_space<vmem>> -> memref<1x1x128x32xf32, #tpu.memory_space<vmem>>
    %dma_wait3A_283 = tpu.memref_squeeze %dma_wait3A_282 : memref<1x1x128x32xf32, #tpu.memory_space<vmem>> -> memref<128x32xf32, #tpu.memory_space<vmem>>
    %dma_wait3A_284 = arith.constant 384 : i32
    %dma_wait3A_285 = tpu.memref_slice %arg13[%dma_wait3A_284] : memref<512xi32, #tpu.memory_space<vmem>> -> memref<128xi32, #tpu.memory_space<vmem>>
    %dma_wait3A_286 = arith.constant 0 : i32
    %dma_wait3A_287 = arith.constant 0 : i32
    %dma_wait3A_288 = tpu.memref_slice %arg9[%dma_wait3A_286, %dma_wait3A_287] : memref<100000x32xf32, #tpu.memory_space<hbm>> -> memref<100000x32xf32, #tpu.memory_space<hbm>>
    tpu.wait_indirect_dma semaphore(%arg19 : memref<!tpu.dma_semaphore, #tpu.memory_space<semaphore_mem>>) src(%dma_wait3A_288 : memref<100000x32xf32, #tpu.memory_space<hbm>>) dst(%dma_wait3A_283 : memref<128x32xf32, #tpu.memory_space<vmem>>)
    %dma_wait3A_289 = arith.constant 2 : i32
    %dma_wait3A_290 = arith.constant 3 : i32
    %dma_wait3A_291 = arith.constant 0 : i32
    %dma_wait3A_292 = arith.constant 0 : i32
    %dma_wait3A_293 = tpu.memref_slice %arg18[%dma_wait3A_289, %dma_wait3A_290, %dma_wait3A_291, %dma_wait3A_292] : memref<3x4x128x32xf32, #tpu.memory_space<vmem>> -> memref<1x1x128x32xf32, #tpu.memory_space<vmem>>
    %dma_wait3A_294 = tpu.memref_squeeze %dma_wait3A_293 : memref<1x1x128x32xf32, #tpu.memory_space<vmem>> -> memref<128x32xf32, #tpu.memory_space<vmem>>
    %dma_wait3A_295 = arith.constant 384 : i32
    %dma_wait3A_296 = tpu.memref_slice %arg14[%dma_wait3A_295] : memref<512xi32, #tpu.memory_space<vmem>> -> memref<128xi32, #tpu.memory_space<vmem>>
    %dma_wait3A_297 = arith.constant 0 : i32
    %dma_wait3A_298 = arith.constant 0 : i32
    %dma_wait3A_299 = tpu.memref_slice %arg10[%dma_wait3A_297, %dma_wait3A_298] : memref<1000x32xf32, #tpu.memory_space<hbm>> -> memref<1000x32xf32, #tpu.memory_space<hbm>>
    tpu.wait_indirect_dma semaphore(%arg19 : memref<!tpu.dma_semaphore, #tpu.memory_space<semaphore_mem>>) src(%dma_wait3A_299 : memref<1000x32xf32, #tpu.memory_space<hbm>>) dst(%dma_wait3A_294 : memref<128x32xf32, #tpu.memory_space<vmem>>)
    %run_scoped3A_300 = arith.constant 0 : i32
    %run_scoped3A_301 = arith.constant 0 : i32
    %run_scoped3A_302 = arith.constant 0 : i32
    "tpu.region"() ({
      %run_scoped3A_336 = tpu.sem_alloc : memref<!tpu.dma_semaphore, #tpu.memory_space<semaphore_mem>>
      %dma_start3A_337 = arith.constant 0 : i32
      %dma_start3A_338 = arith.constant 0 : i32
      %dma_start3A_339 = tpu.memref_slice %arg18[%run_scoped3A_300, %run_scoped3A_301, %dma_start3A_337, %dma_start3A_338] : memref<3x4x128x32xf32, #tpu.memory_space<vmem>> -> memref<1x1x128x32xf32, #tpu.memory_space<vmem>>
      %dma_start3A_340 = tpu.memref_squeeze %dma_start3A_339 : memref<1x1x128x32xf32, #tpu.memory_space<vmem>> -> memref<128x32xf32, #tpu.memory_space<vmem>>
      %dma_start3A_341 = arith.constant 0 : i32
      %dma_start3A_342 = tpu.memref_slice %arg15[%run_scoped3A_302, %dma_start3A_341] : memref<4x128xi32, #tpu.memory_space<vmem>> -> memref<1x128xi32, #tpu.memory_space<vmem>>
      %dma_start3A_343 = tpu.memref_squeeze %dma_start3A_342 : memref<1x128xi32, #tpu.memory_space<vmem>> -> memref<128xi32, #tpu.memory_space<vmem>>
      %dma_start3A_344 = arith.constant 0 : i32
      %dma_start3A_345 = arith.constant 0 : i32
      %dma_start3A_346 = tpu.memref_slice %arg11[%dma_start3A_344, %dma_start3A_345] : memref<49152x32xf32, #tpu.memory_space<hbm>> -> memref<49152x32xf32, #tpu.memory_space<hbm>>
      tpu.enqueue_indirect_dma source(%dma_start3A_340 : memref<128x32xf32, #tpu.memory_space<vmem>>) target(%dma_start3A_346 : memref<49152x32xf32, #tpu.memory_space<hbm>>) offsets(%dma_start3A_343 : memref<128xi32, #tpu.memory_space<vmem>>) semaphore(%run_scoped3A_336 : memref<!tpu.dma_semaphore, #tpu.memory_space<semaphore_mem>>)
      %dma_wait3A_347 = arith.constant 0 : i32
      %dma_wait3A_348 = arith.constant 0 : i32
      %dma_wait3A_349 = tpu.memref_slice %arg18[%run_scoped3A_300, %run_scoped3A_301, %dma_wait3A_347, %dma_wait3A_348] : memref<3x4x128x32xf32, #tpu.memory_space<vmem>> -> memref<1x1x128x32xf32, #tpu.memory_space<vmem>>
      %dma_wait3A_350 = tpu.memref_squeeze %dma_wait3A_349 : memref<1x1x128x32xf32, #tpu.memory_space<vmem>> -> memref<128x32xf32, #tpu.memory_space<vmem>>
      %dma_wait3A_351 = arith.constant 0 : i32
      %dma_wait3A_352 = tpu.memref_slice %arg15[%run_scoped3A_302, %dma_wait3A_351] : memref<4x128xi32, #tpu.memory_space<vmem>> -> memref<1x128xi32, #tpu.memory_space<vmem>>
      %dma_wait3A_353 = tpu.memref_squeeze %dma_wait3A_352 : memref<1x128xi32, #tpu.memory_space<vmem>> -> memref<128xi32, #tpu.memory_space<vmem>>
      %dma_wait3A_354 = arith.constant 0 : i32
      %dma_wait3A_355 = arith.constant 0 : i32
      %dma_wait3A_356 = tpu.memref_slice %arg11[%dma_wait3A_354, %dma_wait3A_355] : memref<49152x32xf32, #tpu.memory_space<hbm>> -> memref<49152x32xf32, #tpu.memory_space<hbm>>
      tpu.wait_indirect_dma semaphore(%run_scoped3A_336 : memref<!tpu.dma_semaphore, #tpu.memory_space<semaphore_mem>>) src(%dma_wait3A_350 : memref<128x32xf32, #tpu.memory_space<vmem>>) dst(%dma_wait3A_356 : memref<49152x32xf32, #tpu.memory_space<hbm>>)
      tpu.yield
    }) : () -> ()
    %run_scoped3A_303 = arith.constant 1 : i32
    %run_scoped3A_304 = arith.constant 0 : i32
    %run_scoped3A_305 = arith.constant 0 : i32
    "tpu.region"() ({
      %run_scoped3A_336 = tpu.sem_alloc : memref<!tpu.dma_semaphore, #tpu.memory_space<semaphore_mem>>
      %dma_start3A_337 = arith.constant 0 : i32
      %dma_start3A_338 = arith.constant 0 : i32
      %dma_start3A_339 = tpu.memref_slice %arg18[%run_scoped3A_303, %run_scoped3A_304, %dma_start3A_337, %dma_start3A_338] : memref<3x4x128x32xf32, #tpu.memory_space<vmem>> -> memref<1x1x128x32xf32, #tpu.memory_space<vmem>>
      %dma_start3A_340 = tpu.memref_squeeze %dma_start3A_339 : memref<1x1x128x32xf32, #tpu.memory_space<vmem>> -> memref<128x32xf32, #tpu.memory_space<vmem>>
      %dma_start3A_341 = arith.constant 0 : i32
      %dma_start3A_342 = tpu.memref_slice %arg16[%run_scoped3A_305, %dma_start3A_341] : memref<4x128xi32, #tpu.memory_space<vmem>> -> memref<1x128xi32, #tpu.memory_space<vmem>>
      %dma_start3A_343 = tpu.memref_squeeze %dma_start3A_342 : memref<1x128xi32, #tpu.memory_space<vmem>> -> memref<128xi32, #tpu.memory_space<vmem>>
      %dma_start3A_344 = arith.constant 0 : i32
      %dma_start3A_345 = arith.constant 0 : i32
      %dma_start3A_346 = tpu.memref_slice %arg11[%dma_start3A_344, %dma_start3A_345] : memref<49152x32xf32, #tpu.memory_space<hbm>> -> memref<49152x32xf32, #tpu.memory_space<hbm>>
      tpu.enqueue_indirect_dma source(%dma_start3A_340 : memref<128x32xf32, #tpu.memory_space<vmem>>) target(%dma_start3A_346 : memref<49152x32xf32, #tpu.memory_space<hbm>>) offsets(%dma_start3A_343 : memref<128xi32, #tpu.memory_space<vmem>>) semaphore(%run_scoped3A_336 : memref<!tpu.dma_semaphore, #tpu.memory_space<semaphore_mem>>)
      %dma_wait3A_347 = arith.constant 0 : i32
      %dma_wait3A_348 = arith.constant 0 : i32
      %dma_wait3A_349 = tpu.memref_slice %arg18[%run_scoped3A_303, %run_scoped3A_304, %dma_wait3A_347, %dma_wait3A_348] : memref<3x4x128x32xf32, #tpu.memory_space<vmem>> -> memref<1x1x128x32xf32, #tpu.memory_space<vmem>>
      %dma_wait3A_350 = tpu.memref_squeeze %dma_wait3A_349 : memref<1x1x128x32xf32, #tpu.memory_space<vmem>> -> memref<128x32xf32, #tpu.memory_space<vmem>>
      %dma_wait3A_351 = arith.constant 0 : i32
      %dma_wait3A_352 = tpu.memref_slice %arg16[%run_scoped3A_305, %dma_wait3A_351] : memref<4x128xi32, #tpu.memory_space<vmem>> -> memref<1x128xi32, #tpu.memory_space<vmem>>
      %dma_wait3A_353 = tpu.memref_squeeze %dma_wait3A_352 : memref<1x128xi32, #tpu.memory_space<vmem>> -> memref<128xi32, #tpu.memory_space<vmem>>
      %dma_wait3A_354 = arith.constant 0 : i32
      %dma_wait3A_355 = arith.constant 0 : i32
      %dma_wait3A_356 = tpu.memref_slice %arg11[%dma_wait3A_354, %dma_wait3A_355] : memref<49152x32xf32, #tpu.memory_space<hbm>> -> memref<49152x32xf32, #tpu.memory_space<hbm>>
      tpu.wait_indirect_dma semaphore(%run_scoped3A_336 : memref<!tpu.dma_semaphore, #tpu.memory_space<semaphore_mem>>) src(%dma_wait3A_350 : memref<128x32xf32, #tpu.memory_space<vmem>>) dst(%dma_wait3A_356 : memref<49152x32xf32, #tpu.memory_space<hbm>>)
      tpu.yield
    }) : () -> ()
    %run_scoped3A_306 = arith.constant 2 : i32
    %run_scoped3A_307 = arith.constant 0 : i32
    %run_scoped3A_308 = arith.constant 0 : i32
    "tpu.region"() ({
      %run_scoped3A_336 = tpu.sem_alloc : memref<!tpu.dma_semaphore, #tpu.memory_space<semaphore_mem>>
      %dma_start3A_337 = arith.constant 0 : i32
      %dma_start3A_338 = arith.constant 0 : i32
      %dma_start3A_339 = tpu.memref_slice %arg18[%run_scoped3A_306, %run_scoped3A_307, %dma_start3A_337, %dma_start3A_338] : memref<3x4x128x32xf32, #tpu.memory_space<vmem>> -> memref<1x1x128x32xf32, #tpu.memory_space<vmem>>
      %dma_start3A_340 = tpu.memref_squeeze %dma_start3A_339 : memref<1x1x128x32xf32, #tpu.memory_space<vmem>> -> memref<128x32xf32, #tpu.memory_space<vmem>>
      %dma_start3A_341 = arith.constant 0 : i32
      %dma_start3A_342 = tpu.memref_slice %arg17[%run_scoped3A_308, %dma_start3A_341] : memref<4x128xi32, #tpu.memory_space<vmem>> -> memref<1x128xi32, #tpu.memory_space<vmem>>
      %dma_start3A_343 = tpu.memref_squeeze %dma_start3A_342 : memref<1x128xi32, #tpu.memory_space<vmem>> -> memref<128xi32, #tpu.memory_space<vmem>>
      %dma_start3A_344 = arith.constant 0 : i32
      %dma_start3A_345 = arith.constant 0 : i32
      %dma_start3A_346 = tpu.memref_slice %arg11[%dma_start3A_344, %dma_start3A_345] : memref<49152x32xf32, #tpu.memory_space<hbm>> -> memref<49152x32xf32, #tpu.memory_space<hbm>>
      tpu.enqueue_indirect_dma source(%dma_start3A_340 : memref<128x32xf32, #tpu.memory_space<vmem>>) target(%dma_start3A_346 : memref<49152x32xf32, #tpu.memory_space<hbm>>) offsets(%dma_start3A_343 : memref<128xi32, #tpu.memory_space<vmem>>) semaphore(%run_scoped3A_336 : memref<!tpu.dma_semaphore, #tpu.memory_space<semaphore_mem>>)
      %dma_wait3A_347 = arith.constant 0 : i32
      %dma_wait3A_348 = arith.constant 0 : i32
      %dma_wait3A_349 = tpu.memref_slice %arg18[%run_scoped3A_306, %run_scoped3A_307, %dma_wait3A_347, %dma_wait3A_348] : memref<3x4x128x32xf32, #tpu.memory_space<vmem>> -> memref<1x1x128x32xf32, #tpu.memory_space<vmem>>
      %dma_wait3A_350 = tpu.memref_squeeze %dma_wait3A_349 : memref<1x1x128x32xf32, #tpu.memory_space<vmem>> -> memref<128x32xf32, #tpu.memory_space<vmem>>
      %dma_wait3A_351 = arith.constant 0 : i32
      %dma_wait3A_352 = tpu.memref_slice %arg17[%run_scoped3A_308, %dma_wait3A_351] : memref<4x128xi32, #tpu.memory_space<vmem>> -> memref<1x128xi32, #tpu.memory_space<vmem>>
      %dma_wait3A_353 = tpu.memref_squeeze %dma_wait3A_352 : memref<1x128xi32, #tpu.memory_space<vmem>> -> memref<128xi32, #tpu.memory_space<vmem>>
      %dma_wait3A_354 = arith.constant 0 : i32
      %dma_wait3A_355 = arith.constant 0 : i32
      %dma_wait3A_356 = tpu.memref_slice %arg11[%dma_wait3A_354, %dma_wait3A_355] : memref<49152x32xf32, #tpu.memory_space<hbm>> -> memref<49152x32xf32, #tpu.memory_space<hbm>>
      tpu.wait_indirect_dma semaphore(%run_scoped3A_336 : memref<!tpu.dma_semaphore, #tpu.memory_space<semaphore_mem>>) src(%dma_wait3A_350 : memref<128x32xf32, #tpu.memory_space<vmem>>) dst(%dma_wait3A_356 : memref<49152x32xf32, #tpu.memory_space<hbm>>)
      tpu.yield
    }) : () -> ()
    %run_scoped3A_309 = arith.constant 0 : i32
    %run_scoped3A_310 = arith.constant 1 : i32
    %run_scoped3A_311 = arith.constant 1 : i32
    "tpu.region"() ({
      %run_scoped3A_336 = tpu.sem_alloc : memref<!tpu.dma_semaphore, #tpu.memory_space<semaphore_mem>>
      %dma_start3A_337 = arith.constant 0 : i32
      %dma_start3A_338 = arith.constant 0 : i32
      %dma_start3A_339 = tpu.memref_slice %arg18[%run_scoped3A_309, %run_scoped3A_310, %dma_start3A_337, %dma_start3A_338] : memref<3x4x128x32xf32, #tpu.memory_space<vmem>> -> memref<1x1x128x32xf32, #tpu.memory_space<vmem>>
      %dma_start3A_340 = tpu.memref_squeeze %dma_start3A_339 : memref<1x1x128x32xf32, #tpu.memory_space<vmem>> -> memref<128x32xf32, #tpu.memory_space<vmem>>
      %dma_start3A_341 = arith.constant 0 : i32
      %dma_start3A_342 = tpu.memref_slice %arg15[%run_scoped3A_311, %dma_start3A_341] : memref<4x128xi32, #tpu.memory_space<vmem>> -> memref<1x128xi32, #tpu.memory_space<vmem>>
      %dma_start3A_343 = tpu.memref_squeeze %dma_start3A_342 : memref<1x128xi32, #tpu.memory_space<vmem>> -> memref<128xi32, #tpu.memory_space<vmem>>
      %dma_start3A_344 = arith.constant 0 : i32
      %dma_start3A_345 = arith.constant 0 : i32
      %dma_start3A_346 = tpu.memref_slice %arg11[%dma_start3A_344, %dma_start3A_345] : memref<49152x32xf32, #tpu.memory_space<hbm>> -> memref<49152x32xf32, #tpu.memory_space<hbm>>
      tpu.enqueue_indirect_dma source(%dma_start3A_340 : memref<128x32xf32, #tpu.memory_space<vmem>>) target(%dma_start3A_346 : memref<49152x32xf32, #tpu.memory_space<hbm>>) offsets(%dma_start3A_343 : memref<128xi32, #tpu.memory_space<vmem>>) semaphore(%run_scoped3A_336 : memref<!tpu.dma_semaphore, #tpu.memory_space<semaphore_mem>>)
      %dma_wait3A_347 = arith.constant 0 : i32
      %dma_wait3A_348 = arith.constant 0 : i32
      %dma_wait3A_349 = tpu.memref_slice %arg18[%run_scoped3A_309, %run_scoped3A_310, %dma_wait3A_347, %dma_wait3A_348] : memref<3x4x128x32xf32, #tpu.memory_space<vmem>> -> memref<1x1x128x32xf32, #tpu.memory_space<vmem>>
      %dma_wait3A_350 = tpu.memref_squeeze %dma_wait3A_349 : memref<1x1x128x32xf32, #tpu.memory_space<vmem>> -> memref<128x32xf32, #tpu.memory_space<vmem>>
      %dma_wait3A_351 = arith.constant 0 : i32
      %dma_wait3A_352 = tpu.memref_slice %arg15[%run_scoped3A_311, %dma_wait3A_351] : memref<4x128xi32, #tpu.memory_space<vmem>> -> memref<1x128xi32, #tpu.memory_space<vmem>>
      %dma_wait3A_353 = tpu.memref_squeeze %dma_wait3A_352 : memref<1x128xi32, #tpu.memory_space<vmem>> -> memref<128xi32, #tpu.memory_space<vmem>>
      %dma_wait3A_354 = arith.constant 0 : i32
      %dma_wait3A_355 = arith.constant 0 : i32
      %dma_wait3A_356 = tpu.memref_slice %arg11[%dma_wait3A_354, %dma_wait3A_355] : memref<49152x32xf32, #tpu.memory_space<hbm>> -> memref<49152x32xf32, #tpu.memory_space<hbm>>
      tpu.wait_indirect_dma semaphore(%run_scoped3A_336 : memref<!tpu.dma_semaphore, #tpu.memory_space<semaphore_mem>>) src(%dma_wait3A_350 : memref<128x32xf32, #tpu.memory_space<vmem>>) dst(%dma_wait3A_356 : memref<49152x32xf32, #tpu.memory_space<hbm>>)
      tpu.yield
    }) : () -> ()
    %run_scoped3A_312 = arith.constant 1 : i32
    %run_scoped3A_313 = arith.constant 1 : i32
    %run_scoped3A_314 = arith.constant 1 : i32
    "tpu.region"() ({
      %run_scoped3A_336 = tpu.sem_alloc : memref<!tpu.dma_semaphore, #tpu.memory_space<semaphore_mem>>
      %dma_start3A_337 = arith.constant 0 : i32
      %dma_start3A_338 = arith.constant 0 : i32
      %dma_start3A_339 = tpu.memref_slice %arg18[%run_scoped3A_312, %run_scoped3A_313, %dma_start3A_337, %dma_start3A_338] : memref<3x4x128x32xf32, #tpu.memory_space<vmem>> -> memref<1x1x128x32xf32, #tpu.memory_space<vmem>>
      %dma_start3A_340 = tpu.memref_squeeze %dma_start3A_339 : memref<1x1x128x32xf32, #tpu.memory_space<vmem>> -> memref<128x32xf32, #tpu.memory_space<vmem>>
      %dma_start3A_341 = arith.constant 0 : i32
      %dma_start3A_342 = tpu.memref_slice %arg16[%run_scoped3A_314, %dma_start3A_341] : memref<4x128xi32, #tpu.memory_space<vmem>> -> memref<1x128xi32, #tpu.memory_space<vmem>>
      %dma_start3A_343 = tpu.memref_squeeze %dma_start3A_342 : memref<1x128xi32, #tpu.memory_space<vmem>> -> memref<128xi32, #tpu.memory_space<vmem>>
      %dma_start3A_344 = arith.constant 0 : i32
      %dma_start3A_345 = arith.constant 0 : i32
      %dma_start3A_346 = tpu.memref_slice %arg11[%dma_start3A_344, %dma_start3A_345] : memref<49152x32xf32, #tpu.memory_space<hbm>> -> memref<49152x32xf32, #tpu.memory_space<hbm>>
      tpu.enqueue_indirect_dma source(%dma_start3A_340 : memref<128x32xf32, #tpu.memory_space<vmem>>) target(%dma_start3A_346 : memref<49152x32xf32, #tpu.memory_space<hbm>>) offsets(%dma_start3A_343 : memref<128xi32, #tpu.memory_space<vmem>>) semaphore(%run_scoped3A_336 : memref<!tpu.dma_semaphore, #tpu.memory_space<semaphore_mem>>)
      %dma_wait3A_347 = arith.constant 0 : i32
      %dma_wait3A_348 = arith.constant 0 : i32
      %dma_wait3A_349 = tpu.memref_slice %arg18[%run_scoped3A_312, %run_scoped3A_313, %dma_wait3A_347, %dma_wait3A_348] : memref<3x4x128x32xf32, #tpu.memory_space<vmem>> -> memref<1x1x128x32xf32, #tpu.memory_space<vmem>>
      %dma_wait3A_350 = tpu.memref_squeeze %dma_wait3A_349 : memref<1x1x128x32xf32, #tpu.memory_space<vmem>> -> memref<128x32xf32, #tpu.memory_space<vmem>>
      %dma_wait3A_351 = arith.constant 0 : i32
      %dma_wait3A_352 = tpu.memref_slice %arg16[%run_scoped3A_314, %dma_wait3A_351] : memref<4x128xi32, #tpu.memory_space<vmem>> -> memref<1x128xi32, #tpu.memory_space<vmem>>
      %dma_wait3A_353 = tpu.memref_squeeze %dma_wait3A_352 : memref<1x128xi32, #tpu.memory_space<vmem>> -> memref<128xi32, #tpu.memory_space<vmem>>
      %dma_wait3A_354 = arith.constant 0 : i32
      %dma_wait3A_355 = arith.constant 0 : i32
      %dma_wait3A_356 = tpu.memref_slice %arg11[%dma_wait3A_354, %dma_wait3A_355] : memref<49152x32xf32, #tpu.memory_space<hbm>> -> memref<49152x32xf32, #tpu.memory_space<hbm>>
      tpu.wait_indirect_dma semaphore(%run_scoped3A_336 : memref<!tpu.dma_semaphore, #tpu.memory_space<semaphore_mem>>) src(%dma_wait3A_350 : memref<128x32xf32, #tpu.memory_space<vmem>>) dst(%dma_wait3A_356 : memref<49152x32xf32, #tpu.memory_space<hbm>>)
      tpu.yield
    }) : () -> ()
    %run_scoped3A_315 = arith.constant 2 : i32
    %run_scoped3A_316 = arith.constant 1 : i32
    %run_scoped3A_317 = arith.constant 1 : i32
    "tpu.region"() ({
      %run_scoped3A_336 = tpu.sem_alloc : memref<!tpu.dma_semaphore, #tpu.memory_space<semaphore_mem>>
      %dma_start3A_337 = arith.constant 0 : i32
      %dma_start3A_338 = arith.constant 0 : i32
      %dma_start3A_339 = tpu.memref_slice %arg18[%run_scoped3A_315, %run_scoped3A_316, %dma_start3A_337, %dma_start3A_338] : memref<3x4x128x32xf32, #tpu.memory_space<vmem>> -> memref<1x1x128x32xf32, #tpu.memory_space<vmem>>
      %dma_start3A_340 = tpu.memref_squeeze %dma_start3A_339 : memref<1x1x128x32xf32, #tpu.memory_space<vmem>> -> memref<128x32xf32, #tpu.memory_space<vmem>>
      %dma_start3A_341 = arith.constant 0 : i32
      %dma_start3A_342 = tpu.memref_slice %arg17[%run_scoped3A_317, %dma_start3A_341] : memref<4x128xi32, #tpu.memory_space<vmem>> -> memref<1x128xi32, #tpu.memory_space<vmem>>
      %dma_start3A_343 = tpu.memref_squeeze %dma_start3A_342 : memref<1x128xi32, #tpu.memory_space<vmem>> -> memref<128xi32, #tpu.memory_space<vmem>>
      %dma_start3A_344 = arith.constant 0 : i32
      %dma_start3A_345 = arith.constant 0 : i32
      %dma_start3A_346 = tpu.memref_slice %arg11[%dma_start3A_344, %dma_start3A_345] : memref<49152x32xf32, #tpu.memory_space<hbm>> -> memref<49152x32xf32, #tpu.memory_space<hbm>>
      tpu.enqueue_indirect_dma source(%dma_start3A_340 : memref<128x32xf32, #tpu.memory_space<vmem>>) target(%dma_start3A_346 : memref<49152x32xf32, #tpu.memory_space<hbm>>) offsets(%dma_start3A_343 : memref<128xi32, #tpu.memory_space<vmem>>) semaphore(%run_scoped3A_336 : memref<!tpu.dma_semaphore, #tpu.memory_space<semaphore_mem>>)
      %dma_wait3A_347 = arith.constant 0 : i32
      %dma_wait3A_348 = arith.constant 0 : i32
      %dma_wait3A_349 = tpu.memref_slice %arg18[%run_scoped3A_315, %run_scoped3A_316, %dma_wait3A_347, %dma_wait3A_348] : memref<3x4x128x32xf32, #tpu.memory_space<vmem>> -> memref<1x1x128x32xf32, #tpu.memory_space<vmem>>
      %dma_wait3A_350 = tpu.memref_squeeze %dma_wait3A_349 : memref<1x1x128x32xf32, #tpu.memory_space<vmem>> -> memref<128x32xf32, #tpu.memory_space<vmem>>
      %dma_wait3A_351 = arith.constant 0 : i32
      %dma_wait3A_352 = tpu.memref_slice %arg17[%run_scoped3A_317, %dma_wait3A_351] : memref<4x128xi32, #tpu.memory_space<vmem>> -> memref<1x128xi32, #tpu.memory_space<vmem>>
      %dma_wait3A_353 = tpu.memref_squeeze %dma_wait3A_352 : memref<1x128xi32, #tpu.memory_space<vmem>> -> memref<128xi32, #tpu.memory_space<vmem>>
      %dma_wait3A_354 = arith.constant 0 : i32
      %dma_wait3A_355 = arith.constant 0 : i32
      %dma_wait3A_356 = tpu.memref_slice %arg11[%dma_wait3A_354, %dma_wait3A_355] : memref<49152x32xf32, #tpu.memory_space<hbm>> -> memref<49152x32xf32, #tpu.memory_space<hbm>>
      tpu.wait_indirect_dma semaphore(%run_scoped3A_336 : memref<!tpu.dma_semaphore, #tpu.memory_space<semaphore_mem>>) src(%dma_wait3A_350 : memref<128x32xf32, #tpu.memory_space<vmem>>) dst(%dma_wait3A_356 : memref<49152x32xf32, #tpu.memory_space<hbm>>)
      tpu.yield
    }) : () -> ()
    %run_scoped3A_318 = arith.constant 0 : i32
    %run_scoped3A_319 = arith.constant 2 : i32
    %run_scoped3A_320 = arith.constant 2 : i32
    "tpu.region"() ({
      %run_scoped3A_336 = tpu.sem_alloc : memref<!tpu.dma_semaphore, #tpu.memory_space<semaphore_mem>>
      %dma_start3A_337 = arith.constant 0 : i32
      %dma_start3A_338 = arith.constant 0 : i32
      %dma_start3A_339 = tpu.memref_slice %arg18[%run_scoped3A_318, %run_scoped3A_319, %dma_start3A_337, %dma_start3A_338] : memref<3x4x128x32xf32, #tpu.memory_space<vmem>> -> memref<1x1x128x32xf32, #tpu.memory_space<vmem>>
      %dma_start3A_340 = tpu.memref_squeeze %dma_start3A_339 : memref<1x1x128x32xf32, #tpu.memory_space<vmem>> -> memref<128x32xf32, #tpu.memory_space<vmem>>
      %dma_start3A_341 = arith.constant 0 : i32
      %dma_start3A_342 = tpu.memref_slice %arg15[%run_scoped3A_320, %dma_start3A_341] : memref<4x128xi32, #tpu.memory_space<vmem>> -> memref<1x128xi32, #tpu.memory_space<vmem>>
      %dma_start3A_343 = tpu.memref_squeeze %dma_start3A_342 : memref<1x128xi32, #tpu.memory_space<vmem>> -> memref<128xi32, #tpu.memory_space<vmem>>
      %dma_start3A_344 = arith.constant 0 : i32
      %dma_start3A_345 = arith.constant 0 : i32
      %dma_start3A_346 = tpu.memref_slice %arg11[%dma_start3A_344, %dma_start3A_345] : memref<49152x32xf32, #tpu.memory_space<hbm>> -> memref<49152x32xf32, #tpu.memory_space<hbm>>
      tpu.enqueue_indirect_dma source(%dma_start3A_340 : memref<128x32xf32, #tpu.memory_space<vmem>>) target(%dma_start3A_346 : memref<49152x32xf32, #tpu.memory_space<hbm>>) offsets(%dma_start3A_343 : memref<128xi32, #tpu.memory_space<vmem>>) semaphore(%run_scoped3A_336 : memref<!tpu.dma_semaphore, #tpu.memory_space<semaphore_mem>>)
      %dma_wait3A_347 = arith.constant 0 : i32
      %dma_wait3A_348 = arith.constant 0 : i32
      %dma_wait3A_349 = tpu.memref_slice %arg18[%run_scoped3A_318, %run_scoped3A_319, %dma_wait3A_347, %dma_wait3A_348] : memref<3x4x128x32xf32, #tpu.memory_space<vmem>> -> memref<1x1x128x32xf32, #tpu.memory_space<vmem>>
      %dma_wait3A_350 = tpu.memref_squeeze %dma_wait3A_349 : memref<1x1x128x32xf32, #tpu.memory_space<vmem>> -> memref<128x32xf32, #tpu.memory_space<vmem>>
      %dma_wait3A_351 = arith.constant 0 : i32
      %dma_wait3A_352 = tpu.memref_slice %arg15[%run_scoped3A_320, %dma_wait3A_351] : memref<4x128xi32, #tpu.memory_space<vmem>> -> memref<1x128xi32, #tpu.memory_space<vmem>>
      %dma_wait3A_353 = tpu.memref_squeeze %dma_wait3A_352 : memref<1x128xi32, #tpu.memory_space<vmem>> -> memref<128xi32, #tpu.memory_space<vmem>>
      %dma_wait3A_354 = arith.constant 0 : i32
      %dma_wait3A_355 = arith.constant 0 : i32
      %dma_wait3A_356 = tpu.memref_slice %arg11[%dma_wait3A_354, %dma_wait3A_355] : memref<49152x32xf32, #tpu.memory_space<hbm>> -> memref<49152x32xf32, #tpu.memory_space<hbm>>
      tpu.wait_indirect_dma semaphore(%run_scoped3A_336 : memref<!tpu.dma_semaphore, #tpu.memory_space<semaphore_mem>>) src(%dma_wait3A_350 : memref<128x32xf32, #tpu.memory_space<vmem>>) dst(%dma_wait3A_356 : memref<49152x32xf32, #tpu.memory_space<hbm>>)
      tpu.yield
    }) : () -> ()
    %run_scoped3A_321 = arith.constant 1 : i32
    %run_scoped3A_322 = arith.constant 2 : i32
    %run_scoped3A_323 = arith.constant 2 : i32
    "tpu.region"() ({
      %run_scoped3A_336 = tpu.sem_alloc : memref<!tpu.dma_semaphore, #tpu.memory_space<semaphore_mem>>
      %dma_start3A_337 = arith.constant 0 : i32
      %dma_start3A_338 = arith.constant 0 : i32
      %dma_start3A_339 = tpu.memref_slice %arg18[%run_scoped3A_321, %run_scoped3A_322, %dma_start3A_337, %dma_start3A_338] : memref<3x4x128x32xf32, #tpu.memory_space<vmem>> -> memref<1x1x128x32xf32, #tpu.memory_space<vmem>>
      %dma_start3A_340 = tpu.memref_squeeze %dma_start3A_339 : memref<1x1x128x32xf32, #tpu.memory_space<vmem>> -> memref<128x32xf32, #tpu.memory_space<vmem>>
      %dma_start3A_341 = arith.constant 0 : i32
      %dma_start3A_342 = tpu.memref_slice %arg16[%run_scoped3A_323, %dma_start3A_341] : memref<4x128xi32, #tpu.memory_space<vmem>> -> memref<1x128xi32, #tpu.memory_space<vmem>>
      %dma_start3A_343 = tpu.memref_squeeze %dma_start3A_342 : memref<1x128xi32, #tpu.memory_space<vmem>> -> memref<128xi32, #tpu.memory_space<vmem>>
      %dma_start3A_344 = arith.constant 0 : i32
      %dma_start3A_345 = arith.constant 0 : i32
      %dma_start3A_346 = tpu.memref_slice %arg11[%dma_start3A_344, %dma_start3A_345] : memref<49152x32xf32, #tpu.memory_space<hbm>> -> memref<49152x32xf32, #tpu.memory_space<hbm>>
      tpu.enqueue_indirect_dma source(%dma_start3A_340 : memref<128x32xf32, #tpu.memory_space<vmem>>) target(%dma_start3A_346 : memref<49152x32xf32, #tpu.memory_space<hbm>>) offsets(%dma_start3A_343 : memref<128xi32, #tpu.memory_space<vmem>>) semaphore(%run_scoped3A_336 : memref<!tpu.dma_semaphore, #tpu.memory_space<semaphore_mem>>)
      %dma_wait3A_347 = arith.constant 0 : i32
      %dma_wait3A_348 = arith.constant 0 : i32
      %dma_wait3A_349 = tpu.memref_slice %arg18[%run_scoped3A_321, %run_scoped3A_322, %dma_wait3A_347, %dma_wait3A_348] : memref<3x4x128x32xf32, #tpu.memory_space<vmem>> -> memref<1x1x128x32xf32, #tpu.memory_space<vmem>>
      %dma_wait3A_350 = tpu.memref_squeeze %dma_wait3A_349 : memref<1x1x128x32xf32, #tpu.memory_space<vmem>> -> memref<128x32xf32, #tpu.memory_space<vmem>>
      %dma_wait3A_351 = arith.constant 0 : i32
      %dma_wait3A_352 = tpu.memref_slice %arg16[%run_scoped3A_323, %dma_wait3A_351] : memref<4x128xi32, #tpu.memory_space<vmem>> -> memref<1x128xi32, #tpu.memory_space<vmem>>
      %dma_wait3A_353 = tpu.memref_squeeze %dma_wait3A_352 : memref<1x128xi32, #tpu.memory_space<vmem>> -> memref<128xi32, #tpu.memory_space<vmem>>
      %dma_wait3A_354 = arith.constant 0 : i32
      %dma_wait3A_355 = arith.constant 0 : i32
      %dma_wait3A_356 = tpu.memref_slice %arg11[%dma_wait3A_354, %dma_wait3A_355] : memref<49152x32xf32, #tpu.memory_space<hbm>> -> memref<49152x32xf32, #tpu.memory_space<hbm>>
      tpu.wait_indirect_dma semaphore(%run_scoped3A_336 : memref<!tpu.dma_semaphore, #tpu.memory_space<semaphore_mem>>) src(%dma_wait3A_350 : memref<128x32xf32, #tpu.memory_space<vmem>>) dst(%dma_wait3A_356 : memref<49152x32xf32, #tpu.memory_space<hbm>>)
      tpu.yield
    }) : () -> ()
    %run_scoped3A_324 = arith.constant 2 : i32
    %run_scoped3A_325 = arith.constant 2 : i32
    %run_scoped3A_326 = arith.constant 2 : i32
    "tpu.region"() ({
      %run_scoped3A_336 = tpu.sem_alloc : memref<!tpu.dma_semaphore, #tpu.memory_space<semaphore_mem>>
      %dma_start3A_337 = arith.constant 0 : i32
      %dma_start3A_338 = arith.constant 0 : i32
      %dma_start3A_339 = tpu.memref_slice %arg18[%run_scoped3A_324, %run_scoped3A_325, %dma_start3A_337, %dma_start3A_338] : memref<3x4x128x32xf32, #tpu.memory_space<vmem>> -> memref<1x1x128x32xf32, #tpu.memory_space<vmem>>
      %dma_start3A_340 = tpu.memref_squeeze %dma_start3A_339 : memref<1x1x128x32xf32, #tpu.memory_space<vmem>> -> memref<128x32xf32, #tpu.memory_space<vmem>>
      %dma_start3A_341 = arith.constant 0 : i32
      %dma_start3A_342 = tpu.memref_slice %arg17[%run_scoped3A_326, %dma_start3A_341] : memref<4x128xi32, #tpu.memory_space<vmem>> -> memref<1x128xi32, #tpu.memory_space<vmem>>
      %dma_start3A_343 = tpu.memref_squeeze %dma_start3A_342 : memref<1x128xi32, #tpu.memory_space<vmem>> -> memref<128xi32, #tpu.memory_space<vmem>>
      %dma_start3A_344 = arith.constant 0 : i32
      %dma_start3A_345 = arith.constant 0 : i32
      %dma_start3A_346 = tpu.memref_slice %arg11[%dma_start3A_344, %dma_start3A_345] : memref<49152x32xf32, #tpu.memory_space<hbm>> -> memref<49152x32xf32, #tpu.memory_space<hbm>>
      tpu.enqueue_indirect_dma source(%dma_start3A_340 : memref<128x32xf32, #tpu.memory_space<vmem>>) target(%dma_start3A_346 : memref<49152x32xf32, #tpu.memory_space<hbm>>) offsets(%dma_start3A_343 : memref<128xi32, #tpu.memory_space<vmem>>) semaphore(%run_scoped3A_336 : memref<!tpu.dma_semaphore, #tpu.memory_space<semaphore_mem>>)
      %dma_wait3A_347 = arith.constant 0 : i32
      %dma_wait3A_348 = arith.constant 0 : i32
      %dma_wait3A_349 = tpu.memref_slice %arg18[%run_scoped3A_324, %run_scoped3A_325, %dma_wait3A_347, %dma_wait3A_348] : memref<3x4x128x32xf32, #tpu.memory_space<vmem>> -> memref<1x1x128x32xf32, #tpu.memory_space<vmem>>
      %dma_wait3A_350 = tpu.memref_squeeze %dma_wait3A_349 : memref<1x1x128x32xf32, #tpu.memory_space<vmem>> -> memref<128x32xf32, #tpu.memory_space<vmem>>
      %dma_wait3A_351 = arith.constant 0 : i32
      %dma_wait3A_352 = tpu.memref_slice %arg17[%run_scoped3A_326, %dma_wait3A_351] : memref<4x128xi32, #tpu.memory_space<vmem>> -> memref<1x128xi32, #tpu.memory_space<vmem>>
      %dma_wait3A_353 = tpu.memref_squeeze %dma_wait3A_352 : memref<1x128xi32, #tpu.memory_space<vmem>> -> memref<128xi32, #tpu.memory_space<vmem>>
      %dma_wait3A_354 = arith.constant 0 : i32
      %dma_wait3A_355 = arith.constant 0 : i32
      %dma_wait3A_356 = tpu.memref_slice %arg11[%dma_wait3A_354, %dma_wait3A_355] : memref<49152x32xf32, #tpu.memory_space<hbm>> -> memref<49152x32xf32, #tpu.memory_space<hbm>>
      tpu.wait_indirect_dma semaphore(%run_scoped3A_336 : memref<!tpu.dma_semaphore, #tpu.memory_space<semaphore_mem>>) src(%dma_wait3A_350 : memref<128x32xf32, #tpu.memory_space<vmem>>) dst(%dma_wait3A_356 : memref<49152x32xf32, #tpu.memory_space<hbm>>)
      tpu.yield
    }) : () -> ()
    %run_scoped3A_327 = arith.constant 0 : i32
    %run_scoped3A_328 = arith.constant 3 : i32
    %run_scoped3A_329 = arith.constant 3 : i32
    "tpu.region"() ({
      %run_scoped3A_336 = tpu.sem_alloc : memref<!tpu.dma_semaphore, #tpu.memory_space<semaphore_mem>>
      %dma_start3A_337 = arith.constant 0 : i32
      %dma_start3A_338 = arith.constant 0 : i32
      %dma_start3A_339 = tpu.memref_slice %arg18[%run_scoped3A_327, %run_scoped3A_328, %dma_start3A_337, %dma_start3A_338] : memref<3x4x128x32xf32, #tpu.memory_space<vmem>> -> memref<1x1x128x32xf32, #tpu.memory_space<vmem>>
      %dma_start3A_340 = tpu.memref_squeeze %dma_start3A_339 : memref<1x1x128x32xf32, #tpu.memory_space<vmem>> -> memref<128x32xf32, #tpu.memory_space<vmem>>
      %dma_start3A_341 = arith.constant 0 : i32
      %dma_start3A_342 = tpu.memref_slice %arg15[%run_scoped3A_329, %dma_start3A_341] : memref<4x128xi32, #tpu.memory_space<vmem>> -> memref<1x128xi32, #tpu.memory_space<vmem>>
      %dma_start3A_343 = tpu.memref_squeeze %dma_start3A_342 : memref<1x128xi32, #tpu.memory_space<vmem>> -> memref<128xi32, #tpu.memory_space<vmem>>
      %dma_start3A_344 = arith.constant 0 : i32
      %dma_start3A_345 = arith.constant 0 : i32
      %dma_start3A_346 = tpu.memref_slice %arg11[%dma_start3A_344, %dma_start3A_345] : memref<49152x32xf32, #tpu.memory_space<hbm>> -> memref<49152x32xf32, #tpu.memory_space<hbm>>
      tpu.enqueue_indirect_dma source(%dma_start3A_340 : memref<128x32xf32, #tpu.memory_space<vmem>>) target(%dma_start3A_346 : memref<49152x32xf32, #tpu.memory_space<hbm>>) offsets(%dma_start3A_343 : memref<128xi32, #tpu.memory_space<vmem>>) semaphore(%run_scoped3A_336 : memref<!tpu.dma_semaphore, #tpu.memory_space<semaphore_mem>>)
      %dma_wait3A_347 = arith.constant 0 : i32
      %dma_wait3A_348 = arith.constant 0 : i32
      %dma_wait3A_349 = tpu.memref_slice %arg18[%run_scoped3A_327, %run_scoped3A_328, %dma_wait3A_347, %dma_wait3A_348] : memref<3x4x128x32xf32, #tpu.memory_space<vmem>> -> memref<1x1x128x32xf32, #tpu.memory_space<vmem>>
      %dma_wait3A_350 = tpu.memref_squeeze %dma_wait3A_349 : memref<1x1x128x32xf32, #tpu.memory_space<vmem>> -> memref<128x32xf32, #tpu.memory_space<vmem>>
      %dma_wait3A_351 = arith.constant 0 : i32
      %dma_wait3A_352 = tpu.memref_slice %arg15[%run_scoped3A_329, %dma_wait3A_351] : memref<4x128xi32, #tpu.memory_space<vmem>> -> memref<1x128xi32, #tpu.memory_space<vmem>>
      %dma_wait3A_353 = tpu.memref_squeeze %dma_wait3A_352 : memref<1x128xi32, #tpu.memory_space<vmem>> -> memref<128xi32, #tpu.memory_space<vmem>>
      %dma_wait3A_354 = arith.constant 0 : i32
      %dma_wait3A_355 = arith.constant 0 : i32
      %dma_wait3A_356 = tpu.memref_slice %arg11[%dma_wait3A_354, %dma_wait3A_355] : memref<49152x32xf32, #tpu.memory_space<hbm>> -> memref<49152x32xf32, #tpu.memory_space<hbm>>
      tpu.wait_indirect_dma semaphore(%run_scoped3A_336 : memref<!tpu.dma_semaphore, #tpu.memory_space<semaphore_mem>>) src(%dma_wait3A_350 : memref<128x32xf32, #tpu.memory_space<vmem>>) dst(%dma_wait3A_356 : memref<49152x32xf32, #tpu.memory_space<hbm>>)
      tpu.yield
    }) : () -> ()
    %run_scoped3A_330 = arith.constant 1 : i32
    %run_scoped3A_331 = arith.constant 3 : i32
    %run_scoped3A_332 = arith.constant 3 : i32
    "tpu.region"() ({
      %run_scoped3A_336 = tpu.sem_alloc : memref<!tpu.dma_semaphore, #tpu.memory_space<semaphore_mem>>
      %dma_start3A_337 = arith.constant 0 : i32
      %dma_start3A_338 = arith.constant 0 : i32
      %dma_start3A_339 = tpu.memref_slice %arg18[%run_scoped3A_330, %run_scoped3A_331, %dma_start3A_337, %dma_start3A_338] : memref<3x4x128x32xf32, #tpu.memory_space<vmem>> -> memref<1x1x128x32xf32, #tpu.memory_space<vmem>>
      %dma_start3A_340 = tpu.memref_squeeze %dma_start3A_339 : memref<1x1x128x32xf32, #tpu.memory_space<vmem>> -> memref<128x32xf32, #tpu.memory_space<vmem>>
      %dma_start3A_341 = arith.constant 0 : i32
      %dma_start3A_342 = tpu.memref_slice %arg16[%run_scoped3A_332, %dma_start3A_341] : memref<4x128xi32, #tpu.memory_space<vmem>> -> memref<1x128xi32, #tpu.memory_space<vmem>>
      %dma_start3A_343 = tpu.memref_squeeze %dma_start3A_342 : memref<1x128xi32, #tpu.memory_space<vmem>> -> memref<128xi32, #tpu.memory_space<vmem>>
      %dma_start3A_344 = arith.constant 0 : i32
      %dma_start3A_345 = arith.constant 0 : i32
      %dma_start3A_346 = tpu.memref_slice %arg11[%dma_start3A_344, %dma_start3A_345] : memref<49152x32xf32, #tpu.memory_space<hbm>> -> memref<49152x32xf32, #tpu.memory_space<hbm>>
      tpu.enqueue_indirect_dma source(%dma_start3A_340 : memref<128x32xf32, #tpu.memory_space<vmem>>) target(%dma_start3A_346 : memref<49152x32xf32, #tpu.memory_space<hbm>>) offsets(%dma_start3A_343 : memref<128xi32, #tpu.memory_space<vmem>>) semaphore(%run_scoped3A_336 : memref<!tpu.dma_semaphore, #tpu.memory_space<semaphore_mem>>)
      %dma_wait3A_347 = arith.constant 0 : i32
      %dma_wait3A_348 = arith.constant 0 : i32
      %dma_wait3A_349 = tpu.memref_slice %arg18[%run_scoped3A_330, %run_scoped3A_331, %dma_wait3A_347, %dma_wait3A_348] : memref<3x4x128x32xf32, #tpu.memory_space<vmem>> -> memref<1x1x128x32xf32, #tpu.memory_space<vmem>>
      %dma_wait3A_350 = tpu.memref_squeeze %dma_wait3A_349 : memref<1x1x128x32xf32, #tpu.memory_space<vmem>> -> memref<128x32xf32, #tpu.memory_space<vmem>>
      %dma_wait3A_351 = arith.constant 0 : i32
      %dma_wait3A_352 = tpu.memref_slice %arg16[%run_scoped3A_332, %dma_wait3A_351] : memref<4x128xi32, #tpu.memory_space<vmem>> -> memref<1x128xi32, #tpu.memory_space<vmem>>
      %dma_wait3A_353 = tpu.memref_squeeze %dma_wait3A_352 : memref<1x128xi32, #tpu.memory_space<vmem>> -> memref<128xi32, #tpu.memory_space<vmem>>
      %dma_wait3A_354 = arith.constant 0 : i32
      %dma_wait3A_355 = arith.constant 0 : i32
      %dma_wait3A_356 = tpu.memref_slice %arg11[%dma_wait3A_354, %dma_wait3A_355] : memref<49152x32xf32, #tpu.memory_space<hbm>> -> memref<49152x32xf32, #tpu.memory_space<hbm>>
      tpu.wait_indirect_dma semaphore(%run_scoped3A_336 : memref<!tpu.dma_semaphore, #tpu.memory_space<semaphore_mem>>) src(%dma_wait3A_350 : memref<128x32xf32, #tpu.memory_space<vmem>>) dst(%dma_wait3A_356 : memref<49152x32xf32, #tpu.memory_space<hbm>>)
      tpu.yield
    }) : () -> ()
    %run_scoped3A_333 = arith.constant 2 : i32
    %run_scoped3A_334 = arith.constant 3 : i32
    %run_scoped3A_335 = arith.constant 3 : i32
    "tpu.region"() ({
      %run_scoped3A_336 = tpu.sem_alloc : memref<!tpu.dma_semaphore, #tpu.memory_space<semaphore_mem>>
      %dma_start3A_337 = arith.constant 0 : i32
      %dma_start3A_338 = arith.constant 0 : i32
      %dma_start3A_339 = tpu.memref_slice %arg18[%run_scoped3A_333, %run_scoped3A_334, %dma_start3A_337, %dma_start3A_338] : memref<3x4x128x32xf32, #tpu.memory_space<vmem>> -> memref<1x1x128x32xf32, #tpu.memory_space<vmem>>
      %dma_start3A_340 = tpu.memref_squeeze %dma_start3A_339 : memref<1x1x128x32xf32, #tpu.memory_space<vmem>> -> memref<128x32xf32, #tpu.memory_space<vmem>>
      %dma_start3A_341 = arith.constant 0 : i32
      %dma_start3A_342 = tpu.memref_slice %arg17[%run_scoped3A_335, %dma_start3A_341] : memref<4x128xi32, #tpu.memory_space<vmem>> -> memref<1x128xi32, #tpu.memory_space<vmem>>
      %dma_start3A_343 = tpu.memref_squeeze %dma_start3A_342 : memref<1x128xi32, #tpu.memory_space<vmem>> -> memref<128xi32, #tpu.memory_space<vmem>>
      %dma_start3A_344 = arith.constant 0 : i32
      %dma_start3A_345 = arith.constant 0 : i32
      %dma_start3A_346 = tpu.memref_slice %arg11[%dma_start3A_344, %dma_start3A_345] : memref<49152x32xf32, #tpu.memory_space<hbm>> -> memref<49152x32xf32, #tpu.memory_space<hbm>>
      tpu.enqueue_indirect_dma source(%dma_start3A_340 : memref<128x32xf32, #tpu.memory_space<vmem>>) target(%dma_start3A_346 : memref<49152x32xf32, #tpu.memory_space<hbm>>) offsets(%dma_start3A_343 : memref<128xi32, #tpu.memory_space<vmem>>) semaphore(%run_scoped3A_336 : memref<!tpu.dma_semaphore, #tpu.memory_space<semaphore_mem>>)
      %dma_wait3A_347 = arith.constant 0 : i32
      %dma_wait3A_348 = arith.constant 0 : i32
      %dma_wait3A_349 = tpu.memref_slice %arg18[%run_scoped3A_333, %run_scoped3A_334, %dma_wait3A_347, %dma_wait3A_348] : memref<3x4x128x32xf32, #tpu.memory_space<vmem>> -> memref<1x1x128x32xf32, #tpu.memory_space<vmem>>
      %dma_wait3A_350 = tpu.memref_squeeze %dma_wait3A_349 : memref<1x1x128x32xf32, #tpu.memory_space<vmem>> -> memref<128x32xf32, #tpu.memory_space<vmem>>
      %dma_wait3A_351 = arith.constant 0 : i32
      %dma_wait3A_352 = tpu.memref_slice %arg17[%run_scoped3A_335, %dma_wait3A_351] : memref<4x128xi32, #tpu.memory_space<vmem>> -> memref<1x128xi32, #tpu.memory_space<vmem>>
      %dma_wait3A_353 = tpu.memref_squeeze %dma_wait3A_352 : memref<1x128xi32, #tpu.memory_space<vmem>> -> memref<128xi32, #tpu.memory_space<vmem>>
      %dma_wait3A_354 = arith.constant 0 : i32
      %dma_wait3A_355 = arith.constant 0 : i32
      %dma_wait3A_356 = tpu.memref_slice %arg11[%dma_wait3A_354, %dma_wait3A_355] : memref<49152x32xf32, #tpu.memory_space<hbm>> -> memref<49152x32xf32, #tpu.memory_space<hbm>>
      tpu.wait_indirect_dma semaphore(%run_scoped3A_336 : memref<!tpu.dma_semaphore, #tpu.memory_space<semaphore_mem>>) src(%dma_wait3A_350 : memref<128x32xf32, #tpu.memory_space<vmem>>) dst(%dma_wait3A_356 : memref<49152x32xf32, #tpu.memory_space<hbm>>)
      tpu.yield
    }) : () -> ()
    return
  }
}

</mosaic_0001>

<sc_bundles>
// kernel: kernel.3.cloned.1.call-start
scs
__scs_entry_jumppad:
0x0: {  	(pc) =	sbr.rel $0x88, $3  }
0x1: {  	(tag) =	ssettag $0x0;
	lr =	simm.s32 $0x1  }
0x2: {  	[smem:$0x3F9B] =	sst lr;
	_ =	strace $0xD0000000  }
0x3: {  	_ = 	snop  }
0x4: {  	_ = 	snop  }
0x5: {  	_ = 	snop  }
0x6: {  	_ = 	snop  }
0x7: {  	_ = 	snop  }
__scs_overlays_trampoline_lowered:
0x8: {  	[smem:$0x3FAA] =	sst s0  }
0x9: {  	[smem:$0x3FAB] =	sst s1  }
0xa: {  	[smem:$0x3FAC] =	sst s2  }
0xb: {  	[smem:$0x3FAD] =	sst s3  }
0xc: {  	[smem:$0x3FAE] =	sst s4  }
0xd: {  	[smem:$0x3FAF] =	sst s5  }
0xe: {  	[smem:$0x3FB0] =	sst s6  }
0xf: {  	[smem:$0x3FB1] =	sst s7  }
0x10: {  	[smem:$0x3FB2] =	sst s8  }
0x11: {  	[smem:$0x3FB3] =	sst s9;
	s0 =	simm.s32 @!p0 $0x0  }
0x12: {  	s1 =	sld [smem:$0x3F99];
	s0 =	simm.s32 @p0 $0x1  }
0x13: {  	[smem:$0x3FB4] =	sst s0;
	s0 =	simm.s32 @!p1 $0x0  }
0x14: {  	s2 =	sld [smem:$0x3F98];
	s0 =	simm.s32 @p1 $0x1  }
0x15: {  	[smem:$0x3FB5] =	sst s0;
	s0 =	simm.s32 @!p2 $0x0  }
0x16: {  	s3 =	sld [smem:$0x3FDB];
	s0 =	simm.s32 @p2 $0x1  }
0x17: {  	s4 =	simm.s32 $0x1BF5;
	[smem:$0x3FB7] =	sst s0  }
0x18: {  	s0 =	sld [smem:$0x3F9A];
	_ =	swait.ge [sflag:s4], $0x0  }
0x19: {  	s7 =	sld [smem:$0x3F9B]  }
0x1a: {  	s8 =	sadd.s32 $0xFFFFE003, lr  }
0x1b: {  	s9 =	sadd.s32 $0xFFFFFEF7, lr;
	s5 =	simm.s32 $0xFFFFFFFF;
	p2 =	slt.u32 s8, $0xFFFFF086  }
0x1c: {  	p1 =	slt.u32 s9, $0xF7A;
	s5 =	simm.s32 @!p2 $0x0  }
0x1d: {  	s5 =	simm.s32 @p1 $0x1;
	p0 =	seq.s32 s7, s2  }
0x1e: {  	s7 =	smul.u32 @!p0 $0xF7A, s2;
	p2 =	seq.s32 @!p0 s5, $0x0  }
0x1f: {  	s9 =	smul.u32 $0xF7A, s1;
	s8 =	simm.s32 @!p0 $0x1BF5;
	p2 =	por !p2, p0  }
0x20: {  	[sflag:s8] =	ssyncset.s32 @!p0 $0xFFFFF086;
	s6 =	sadd.s32 @!p0 s3, s7;
	s7 =	simm.s32 @!p0 $0x108  }
0x21: {  	s3 =	sadd.s32 s3, s9;
	s6 =	sadd.s32 @!p0 $0x88, s6;
	s7 =	simm.s32 @p2 $0x1082  }
0x22: {  	[simem:s7], [sflag:s8] =	dma.local @!p0 [hbm:s6], $0xF7A  }
0x23: {  	s9 =	sor.u32 $0xD0000000, s2;
	s6 =	simm.s32 $0x108;
	_ =	swait.ge @!p0 [sflag:s8], $0x0  }
0x24: {  	s3 =	sadd.s32 $0x88, s3;
	s6 =	simm.s32 @!p1 $0x1082;
	[sflag:s4] =	ssyncset.s32 $0xFFFFF086  }
0x25: {  	[simem:s6], [sflag:s4] =	dma.local [hbm:s3], $0xF7A  }
0x26: {  	[smem:$0x3F9B] =	sst s1;
	(tag) =	ssettag s2;
	_ =	strace s9  }
0x27: {  	s1 =	sld [smem:$0x3FAB]  }
0x28: {  	s2 =	sld [smem:$0x3FAC]  }
0x29: {  	s4 =	sld [smem:$0x3FAE]  }
0x2a: {  	p0 =	seq.s32 s5, $0x0;
	s5 =	sld [smem:$0x3FAF]  }
0x2b: {  	s6 =	sld [smem:$0x3FB0]  }
0x2c: {  	s7 =	sld [smem:$0x3FB1]  }
0x2d: {  	s3 =	simm.s32 $0x108;
	s8 =	sld [smem:$0x3FB2]  }
0x2e: {  	s3 =	simm.s32 @!p0 $0x1082;
	s9 =	sld [smem:$0x3FB3]  }
0x2f: {  	lr =	sadd.s32 s0, s3;
	s0 =	sld [smem:$0x3FAA]  }
0x30: {  	s3 =	sld [smem:$0x3FAD]  }
0x31: {  	[smem:$0x3FB6] =	sst s10  }
0x32: {  	s10 =	sld [smem:$0x3FB4];
	_ =	sdelay $0x3  }
0x33: {  	p0 =	seq.s32 s10, $0x1;
	s10 =	sld [smem:$0x3FB6];
	_ =	sdelay $0x3  }
0x34: {  	[smem:$0x3FB6] =	sst s10  }
0x35: {  	s10 =	sld [smem:$0x3FB5];
	_ =	sdelay $0x3  }
0x36: {  	p1 =	seq.s32 s10, $0x1;
	s10 =	sld [smem:$0x3FB6];
	_ =	sdelay $0x3  }
0x37: {  	[smem:$0x3FB6] =	sst s10  }
0x38: {  	s10 =	sld [smem:$0x3FB7]  }
0x39: {  	_ = 	snop;
	(pc) =	sbr.ind lr, $3  }
0x3a: {  	_ = 	snop  }
0x3b: {  	_ = 	snop  }
0x3c: {  	p2 =	seq.s32 s10, $0x1;
	s10 =	sld [smem:$0x3FB6]  }
0x3d: {  	_ =	shalt  }
0x3e: {  	_ =	shalt  }
0x3f: {  	_ =	shalt  }
0x40: {  	_ =	shalt  }
0x41: {  	_ =	shalt  }
0x42: {  	_ =	shalt  }
0x43: {  	_ =	shalt  }
0x44: {  	_ =	shalt  }
0x45: {  	_ =	shalt  }
0x46: {  	_ =	shalt  }
0x47: {  	_ =	shalt  }
0x48: {  	_ =	shalt  }
0x49: {  	_ =	shalt  }
0x4a: {  	_ =	shalt  }
0x4b: {  	_ =	shalt  }
0x4c: {  	_ =	shalt  }
0x4d: {  	_ =	shalt  }
0x4e: {  	_ =	shalt  }
0x4f: {  	_ =	shalt  }
0x50: {  	_ =	shalt  }
0x51: {  	_ =	shalt  }
0x52: {  	_ =	shalt  }
0x53: {  	_ =	shalt  }
0x54: {  	_ =	shalt  }
0x55: {  	_ =	shalt  }
0x56: {  	_ =	shalt  }
0x57: {  	_ =	shalt  }
0x58: {  	_ =	shalt  }
0x59: {  	_ =	shalt  }
0x5a: {  	_ =	shalt  }
0x5b: {  	_ =	shalt  }
0x5c: {  	_ =	shalt  }
0x5d: {  	_ =	shalt  }
0x5e: {  	_ =	shalt  }
0x5f: {  	_ =	shalt  }
0x60: {  	_ =	shalt  }
0x61: {  	_ =	shalt  }
0x62: {  	_ =	shalt  }
0x63: {  	_ =	shalt  }
0x64: {  	_ =	shalt  }
0x65: {  	_ =	shalt  }
0x66: {  	_ =	shalt  }
0x67: {  	_ =	shalt  }
0x68: {  	_ =	shalt  }
0x69: {  	_ =	shalt  }
0x6a: {  	_ =	shalt  }
0x6b: {  	_ =	shalt  }
0x6c: {  	_ =	shalt  }
0x6d: {  	_ =	shalt  }
0x6e: {  	_ =	shalt  }
0x6f: {  	_ =	shalt  }
0x70: {  	_ =	shalt  }
0x71: {  	_ =	shalt  }
0x72: {  	_ =	shalt  }
0x73: {  	_ =	shalt  }
0x74: {  	_ =	shalt  }
0x75: {  	_ =	shalt  }
0x76: {  	_ =	shalt  }
0x77: {  	_ =	shalt  }
0x78: {  	_ =	shalt  }
0x79: {  	_ =	shalt  }
0x7a: {  	_ =	shalt  }
0x7b: {  	_ =	shalt  }
0x7c: {  	_ =	shalt  }
0x7d: {  	_ =	shalt  }
0x7e: {  	_ =	shalt  }
0x7f: {  	_ =	shalt  }
0x80: {  	_ =	shalt  }
0x81: {  	_ =	shalt  }
0x82: {  	_ =	shalt  }
0x83: {  	_ =	shalt  }
0x84: {  	_ =	shalt  }
0x85: {  	_ =	shalt  }
0x86: {  	_ =	shalt  }
0x87: {  	_ =	shalt  }
.Lfunc_end0:
.L_simem_size_0:
called_computation_lowered:
.L_overlay_start_0:
0x88: {  	s2 =	sld [smem:$0x3FD9]  }
0x89: {  	s3 =	sld [smem:$0x3FFE];
	_ =	sdelay $0x1  }
0x8a: {  	s1 =	srdreg.scid  }
0x8b: {  	s0 =	sand.u32 $0x1, s1  }
0x8c: {  	s17 =	sshll.u32 s0, $0xA;
	s2 =	sadd.s32 s3, s2  }
0x8d: {  	s2 =	sadd.s32 s2, s17  }
0x8e: {  	[smem:$0x3FC2] =	sst s2  }
0x8f: {  	_ = 	snop  }
0x90: {  	s2 =	sld [smem:$0x3FC9]  }
0x91: {  	s18 =	sld [smem:$0x3FC8]  }
0x92: {  	s4 =	sld [smem:$0x3FC7]  }
0x93: {  	s5 =	sld [smem:$0x3FD0];
	(tm) =	ssettm $0x1  }
0x94: {  	s6 =	sld [smem:$0x3FFB];
	_ =	sdelay $0x3  }
0x95: {  	_ =	strace s6  }
0x96: {  	s6 =	sld [smem:$0x3FFC];
	_ =	sdelay $0x3  }
0x97: {  	_ =	strace s6  }
0x98: {  	s6 =	sld [smem:$0x3FFD];
	_ =	sdelay $0x3  }
0x99: {  	_ =	strace s6  }
0x9a: {  	_ =	strace $0x8FFFFFFF  }
0x9b: {  	s19 =	sld [smem:$0x3FDB];
	_ =	sdelay $0x1  }
0x9c: {  	s7 =	simm.s32 $_scs_section_size  }
0x9d: {  	s8 =	simm.s32 $_size__tile_overlayer_lowered;
	s9 =	simm.s32 $_tile_overlayer_lowered  }
0x9e: {  	s22 =	simm.s32 $0x1BFF;
	s21 =	sshll.u32 s9, $0x1;
	s6 =	sadd.s32 s7, s19  }
0x9f: {  	s10 =	simm.s32 $0x0;
	s20 =	sshll.u32 s8, $0x1;
	s8 =	sadd.s32 s21, s6  }
0xa0: {  	[timem:s10], [sflag:s22] =	dma.local [hbm:s8], s20  }
0xa1: {  	_ =	swait.ge [sflag:s22], s20  }
0xa2: {  	s7 =	ssub.s32 $0x0, s20;
	[sflag:s22] =	ssyncset.done $0x0  }
0xa3: {  	[sflag:s22] =	ssyncadd.s32 s7;
	_ =	sdelay $0x1  }
0xa4: {  	s23 =	simm.s32 $0x1B8B  }
0xa5: {  	_ =	swait.ge [sflag:s23], $0x1  }
0xa6: {  	[sflag:s23] =	ssyncset.done $0x0  }
0xa7: {  	s25 =	simm.s32 $0x1B8E;
	s24 =	sld [smem:$0x3FFE];
	[sflag:s23] =	ssyncadd.s32 $0xFFFFFFFF  }
0xa8: {  	s26 =	simm.s32 $execute0_lowered;
	[smem:$0x3FD2] =	sst s25  }
0xa9: {  	s8 =	sshll.u32 s26, $0x1;
	_ =	strace $0x80000046;
	[dreg:$0x1] =	wrdreg $0xFFFFFFFF  }
0xaa: {  	s28 =	simm.s32 $_size_execute0_lowered;
	s6 =	sadd.s32 s6, s8;
	[dreg:$0x0] =	wrdreg $0x0  }
0xab: {  	s8 =	sshll.u32 s28, $0x1;
	[dreg:$0x2] =	wrdreg s6  }
0xac: {  	[dreg:$0x3] =	wrdreg s8  }
0xad: {  	[dreg:$0x4] =	wrdreg $0xC0  }
0xae: {  	_ =	task [dreg:s10], $0x5FFFF  }
0xaf: {  	[dreg:$0x1] =	wrdreg $0xFFFFFFFF  }
0xb0: {  	[dreg:$0x0] =	wrdreg $0x60  }
0xb1: {  	[dreg:$0x2] =	wrdreg s2  }
0xb2: {  	[dreg:$0x3] =	wrdreg s18  }
0xb3: {  	[dreg:$0x4] =	wrdreg s4  }
0xb4: {  	[dreg:$0x5] =	wrdreg s24  }
0xb5: {  	[dreg:$0x6] =	wrdreg s5  }
0xb6: {  	[dreg:$0x7] =	wrdreg $0x9  }
0xb7: {  	_ =	task.clear_ibuf [dreg:s10], $0x8FFFF;
	_ =	strace $0x90000046  }
0xb8: {  	s29 =	simm.s32 $0x9;
	_ =	strace $0x80000048  }
0xb9: {  	_ =	swait.ge [sflag:s29], $0x1  }
0xba: {  	[sflag:s29] =	ssyncadd.s32 $0xFFFFFFFF  }
0xbb: {  	_ =	strace $0x90000048  }
0xbc: {  	_ =	sfence  }
0xbd: {  	s30 =	sld [smem:$0x0];
	_ =	sdelay $0x2  }
0xbe: {  	s31 =	sshll.u32 s1, $0xD;
	s1 =	sshrl.u32 s1, $0x2  }
0xbf: {  	s3 =	sand.u32 $0x4000, s31;
	s1 =	sadd.s32 s1, s30  }
0xc0: {  	s0 =	sor.u32 s3, s0;
	s1 =	sshll.u32 s1, $0x11  }
0xc1: {  	s0 =	sor.u32 s1, s0  }
0xc2: {  	s0 =	sadd.s32 $0x8F2B, s0  }
0xc3: {  	[sflag:s0] =	ssyncadd.remote.s32 $0x1  }
0xc4: {  	_ =	sfence.sel $0xFFFF  }
0xc5: {  	[dreg:$0x0] =	wrdreg $0xFFFFFFFF;
	(pc) =	sbr.abs _section_cstart, $3  }
0xc6: {  	[dreg:$0x1] =	wrdreg $0xFFFFFFFF  }
0xc7: {  	_ =	task.clear_ibuf [dreg:s10], $0x2FFFF;
	_ =	strace $0x9FFFFFFF  }
0xc8: {  	(tm) =	ssettm $0x7FFFFFFF  }
0xc9: {  	_ =	shalt  }
tec
execute0_lowered:
.L_overlay_start_1:
0x0: {  	(tag) =	ssettag $0x1  }
0x1: {  	s0 =	rddreg [dreg:$0x0]  }
0x2: {  	s1 =	rddreg [dreg:$0x1]  }
0x3: {  	s3 =	rddreg [dreg:$0x2]  }
0x4: {  	s4 =	rddreg [dreg:$0x3]  }
0x5: {  	s29 =	rddreg [dreg:$0x4];
	s5 =	srdreg.scid  }
0x6: {  	s6 =	stileid.u32;
	s19 =	simm.s32 $0x0;
	p0 =	por $0x0, $0x0  }
0x7: {  	s31 =	simm.s32 $0x9C00;
	s30 =	simm.s32 $0x6C00;
	s28 =	simm.s32 $0x7C00  }
0x8: {  	s5 =	sand.u32 $0x1, s5;
	s6 =	sshll.u32 s6, $0x7;
	[smem:$0x7FF] =	sst s19  }
0x9: {  	s21 =	sadd.s32 $0x1800, s4;
	s24 =	sadd.s32 $0x1000, s4;
	s2 =	sadd.s32 $0x800, s4  }
0xa: {  	s25 =	sadd.s32 $0xF44400, s4;
	s22 =	sadd.s32 $0x2000, s4;
	s7 =	sshll.u32 s5, $0x6  }
0xb: {  	_ =	strace $0x80000047;
	s6 =	sor.u32 s7, s6;
	s7 =	simm.s32 $0x100  }
0xc: {  	s5 =	ssub.s32 $0x2, s5;
	s0 =	sadd.s32 s0, s6;
	[dreg:$0x17] =	wrdreg s7  }
0xd: {  	s20 =	sadd.s32 s1, s6;
	s23 =	sadd.s32 s3, s6;
	[dreg:$0x6] =	wrdreg s0  }
0xe: {  	s26 =	sadd.s32 s21, s6;
	s9 =	sadd.s32 s24, s6;
	[dreg:$0x7] =	wrdreg s20  }
0xf: {  	s10 =	sadd.s32 s2, s6;
	s8 =	sor.u32 $0x10, s6;
	[dreg:$0x8] =	wrdreg s23  }
0x10: {  	s14 =	sor.u32 $0x20, s6;
	s18 =	sor.u32 $0x30, s6;
	[dreg:$0x9] =	wrdreg s26  }
0x11: {  	s3 =	simm.s32 $0x2;
	s6 =	simm.s32 $0x480;
	[dreg:$0xa] =	wrdreg s9  }
0x12: {  	s7 =	simm.s32 $0x780;
	[dreg:$0xb] =	wrdreg s10;
	s11 =	sadd.s32 s21, s8  }
0x13: {  	s12 =	sadd.s32 s24, s8;
	s13 =	sadd.s32 s2, s8;
	[dreg:$0x16] =	wrdreg s6  }
0x14: {  	s26 =	sadd.s32 $0x188A00, s4;
	s15 =	sadd.s32 s21, s14;
	[dreg:$0xc] =	wrdreg s11  }
0x15: {  	s16 =	sadd.s32 s24, s14;
	s17 =	sadd.s32 s2, s14;
	[dreg:$0xd] =	wrdreg s12  }
0x16: {  	s20 =	sadd.s32 s21, s18;
	s21 =	sshrl.u32 s5, $0x1;
	[dreg:$0xe] =	wrdreg s13  }
0x17: {  	s23 =	sadd.s32 s24, s18;
	s24 =	sadd.s32 s2, s18;
	[dreg:$0xf] =	wrdreg s15  }
0x18: {  	s18 =	simm.s32 $0x680;
	s14 =	simm.s32 $0x900;
	[dreg:$0x10] =	wrdreg s16  }
0x19: {  	s8 =	simm.s32 $0x300;
	s9 =	simm.s32 $0x500;
	[dreg:$0x11] =	wrdreg s17  }
0x1a: {  	s10 =	simm.s32 $0x180;
	s6 =	simm.s32 $0x4C00;
	[dreg:$0x12] =	wrdreg s20  }
0x1b: {  	s4 =	simm.s32 $0x1;
	s1 =	ssub.s32 s5, s21;
	[dreg:$0x13] =	wrdreg s23  }
0x1c: {  	[dreg:$0x14] =	wrdreg s24;
	s24 =	simm.s32 $0x600;
	s21 =	simm.s32 $0x800  }
0x1d: {  	s20 =	simm.s32 $0xA00;
	s17 =	simm.s32 $0x880;
	[dreg:$0x18] =	wrdreg s8  }
0x1e: {  	s16 =	simm.s32 $0xA80;
	s5 =	simm.s32 $0x280;
	[dreg:$0x19] =	wrdreg s9  }
0x1f: {  	s15 =	simm.s32 $0x700;
	[dreg:$0x1a] =	wrdreg s10;
	s2 =	smax.u32 s1, $0x1  }
0x20: {  	s13 =	simm.s32 $0xB00;
	s9 =	rddreg [dreg:$0x6];
	p1 =	sne.s32 s2, $0x1  }
.Ltmp0:
0x21: {  	s12 =	simm.s32 $0x380;
	[dreg:$0x15] =	wrdreg s5;
	(pc) =	sbr.rel @!p1 .LBB2_5-.Ltmp0, $4  }
0x22: {  	s11 =	simm.s32 $0x980;
	s23 =	simm.s32 $0x580;
	[dreg:$0x1b] =	wrdreg s12  }
0x23: {  	s8 =	simm.s32 $0x80;
	s10 =	simm.s32 $0xC00;
	[dreg:$0x1c] =	wrdreg s23  }
0x24: {  	s5 =	simm.s32 $0x1C00;
	s1 =	simm.s32 $0x2C00;
	s12 =	simm.s32 $0xAC00  }
0x25: {  	s23 =	simm.s32 $0xBC00;
	s0 =	sadd.s32 $0xFFFFFFFF, s2;
	s2 =	simm.s32 $0x3C00  }
0x26: {  	[tilespmem:s19], [sflag:$0x2] =	stream.linear.gather [hbm4b:s9+s19], $0x200, $0x38;
	[tilespmem:$0xCC00] =	vst v63  }
0x27: {  	_ =	swait.ge [sflag:s3], $0x200  }
0x28: {  	s2 =	smov.u32 s0;
	[sflag:s3] =	ssyncset.done $0x0  }
0x29: {  	s0 =	simm.s32 $0x200;
	s31 =	rddreg [dreg:$0x7];
	[sflag:s3] =	ssyncadd.s32 $0xFFFFFE00  }
0x2a: {  	[tilespmem:s0], [sflag:$0x2] =	stream.linear.gather [hbm4b:s31+s19], $0x200, $0x38;
	[tilespmem:$0xCC00] =	vst v63  }
0x2b: {  	_ =	swait.ge [sflag:s3], $0x200  }
0x2c: {  	[sflag:s3] =	ssyncset.done $0x0  }
0x2d: {  	s12 =	simm.s32 $0x400;
	s1 =	rddreg [dreg:$0x8];
	[sflag:s3] =	ssyncadd.s32 $0xFFFFFE00  }
0x2e: {  	[tilespmem:s12], [sflag:$0x2] =	stream.linear.gather [hbm4b:s1+s19], $0x200, $0x38;
	[tilespmem:$0xCC00] =	vst v63  }
0x2f: {  	_ =	swait.ge [sflag:s3], $0x200  }
0x30: {  	[sflag:s3] =	ssyncset.done $0x0  }
0x31: {  	s23 =	rddreg [dreg:$0x9];
	[sflag:s3] =	ssyncadd.s32 $0xFFFFFE00  }
0x32: {  	[tilespmem:s24], [sflag:$0x2] =	stream.linear.gather [hbm4b:s23+s19], $0x80, $0x38;
	[tilespmem:$0xCC00] =	vst v63  }
0x33: {  	_ =	swait.ge [sflag:s3], $0x80  }
0x34: {  	[sflag:s3] =	ssyncset.done $0x0  }
0x35: {  	s24 =	rddreg [dreg:$0xa];
	[sflag:s3] =	ssyncadd.s32 $0xFFFFFF80  }
0x36: {  	[tilespmem:s21], [sflag:$0x2] =	stream.linear.gather [hbm4b:s24+s19], $0x80, $0x38;
	[tilespmem:$0xCC00] =	vst v63  }
0x37: {  	_ =	swait.ge [sflag:s3], $0x80  }
0x38: {  	[sflag:s3] =	ssyncset.done $0x0  }
0x39: {  	s28 =	rddreg [dreg:$0xb];
	[sflag:s3] =	ssyncadd.s32 $0xFFFFFF80  }
0x3a: {  	[tilespmem:s20], [sflag:$0x2] =	stream.linear.gather [hbm4b:s28+s19], $0x80, $0x38;
	[tilespmem:$0xCC00] =	vst v63  }
0x3b: {  	_ =	swait.ge [sflag:s3], $0x80  }
0x3c: {  	[sflag:s3] =	ssyncset.done $0x0  }
0x3d: {  	s30 =	rddreg [dreg:$0xc];
	[sflag:s3] =	ssyncadd.s32 $0xFFFFFF80  }
0x3e: {  	[tilespmem:s18], [sflag:$0x2] =	stream.linear.gather [hbm4b:s30+s19], $0x80, $0x38;
	[tilespmem:$0xCC00] =	vst v63  }
0x3f: {  	_ =	swait.ge [sflag:s3], $0x80  }
0x40: {  	[sflag:s3] =	ssyncset.done $0x0  }
0x41: {  	s31 =	rddreg [dreg:$0xd];
	[sflag:s3] =	ssyncadd.s32 $0xFFFFFF80  }
0x42: {  	[tilespmem:s17], [sflag:$0x2] =	stream.linear.gather [hbm4b:s31+s19], $0x80, $0x38;
	[tilespmem:$0xCC00] =	vst v63  }
0x43: {  	_ =	swait.ge [sflag:s3], $0x80  }
0x44: {  	[sflag:s3] =	ssyncset.done $0x0  }
0x45: {  	s1 =	rddreg [dreg:$0xe];
	[sflag:s3] =	ssyncadd.s32 $0xFFFFFF80  }
0x46: {  	[tilespmem:s16], [sflag:$0x2] =	stream.linear.gather [hbm4b:s1+s19], $0x80, $0x38;
	[tilespmem:$0xCC00] =	vst v63  }
0x47: {  	_ =	swait.ge [sflag:s3], $0x80  }
0x48: {  	[sflag:s3] =	ssyncset.done $0x0  }
0x49: {  	s16 =	rddreg [dreg:$0xf];
	[sflag:s3] =	ssyncadd.s32 $0xFFFFFF80  }
0x4a: {  	[tilespmem:s15], [sflag:$0x2] =	stream.linear.gather [hbm4b:s16+s19], $0x80, $0x38;
	[tilespmem:$0xCC00] =	vst v63  }
0x4b: {  	_ =	swait.ge [sflag:s3], $0x80  }
0x4c: {  	[sflag:s3] =	ssyncset.done $0x0  }
0x4d: {  	s17 =	rddreg [dreg:$0x10];
	[sflag:s3] =	ssyncadd.s32 $0xFFFFFF80  }
0x4e: {  	[tilespmem:s14], [sflag:$0x2] =	stream.linear.gather [hbm4b:s17+s19], $0x80, $0x38;
	[tilespmem:$0xCC00] =	vst v63  }
0x4f: {  	_ =	swait.ge [sflag:s3], $0x80  }
0x50: {  	[sflag:s3] =	ssyncset.done $0x0  }
0x51: {  	s18 =	rddreg [dreg:$0x11];
	[sflag:s3] =	ssyncadd.s32 $0xFFFFFF80  }
0x52: {  	[tilespmem:s13], [sflag:$0x2] =	stream.linear.gather [hbm4b:s18+s19], $0x80, $0x38;
	[tilespmem:$0xCC00] =	vst v63  }
0x53: {  	_ =	swait.ge [sflag:s3], $0x80  }
0x54: {  	[sflag:s3] =	ssyncset.done $0x0  }
0x55: {  	s20 =	rddreg [dreg:$0x12];
	[sflag:s3] =	ssyncadd.s32 $0xFFFFFF80  }
0x56: {  	[tilespmem:s7], [sflag:$0x2] =	stream.linear.gather [hbm4b:s20+s19], $0x80, $0x38;
	[tilespmem:$0xCC00] =	vst v63  }
0x57: {  	_ =	swait.ge [sflag:s3], $0x80  }
0x58: {  	[sflag:s3] =	ssyncset.done $0x0  }
0x59: {  	s21 =	rddreg [dreg:$0x13];
	[sflag:s3] =	ssyncadd.s32 $0xFFFFFF80  }
0x5a: {  	[tilespmem:s11], [sflag:$0x2] =	stream.linear.gather [hbm4b:s21+s19], $0x80, $0x38;
	[tilespmem:$0xCC00] =	vst v63  }
0x5b: {  	_ =	swait.ge [sflag:s3], $0x80  }
0x5c: {  	[sflag:s3] =	ssyncset.done $0x0  }
0x5d: {  	s1 =	simm.s32 $0xB80;
	s23 =	rddreg [dreg:$0x14];
	[sflag:s3] =	ssyncadd.s32 $0xFFFFFF80  }
0x5e: {  	[tilespmem:s1], [sflag:$0x2] =	stream.linear.gather [hbm4b:s23+s19], $0x80, $0x38;
	[tilespmem:$0xCC00] =	vst v63  }
0x5f: {  	_ =	swait.ge [sflag:s3], $0x80  }
0x60: {  	[sflag:s3] =	ssyncset.done $0x0  }
0x61: {  	[sflag:s3] =	ssyncadd.s32 $0xFFFFFF80  }
0x62: {  	[tilespmem:s10], [sflag:$0x1] =	stream.indirect.gather [hbm4b:s25+s8], $0x20, s19, s8, $0xb8;
	[tilespmem:$0xCC00] =	vst v63  }
0x63: {  	_ = 	snop  }
0x64: {  	[tilespmem:s6], [sflag:$0x1] =	stream.indirect.gather [hbm4b:s26+s8], $0x20, s0, s8, $0xb8;
	[tilespmem:$0xCC00] =	vst v63  }
0x65: {  	s1 =	simm.s32 $0x8C00  }
0x66: {  	[tilespmem:s1], [sflag:$0x1] =	stream.indirect.gather [hbm4b:s22+s8], $0x20, s12, s8, $0xb8;
	[tilespmem:$0xCC00] =	vst v63  }
0x67: {  	_ = 	snop  }
0x68: {  	[tilespmem:s5], [sflag:$0x1] =	stream.indirect.gather [hbm4b:s25+s8], $0x20, s8, s8, $0xb8;
	[tilespmem:$0xCC00] =	vst v63  }
0x69: {  	s11 =	simm.s32 $0x5C00;
	s9 =	rddreg [dreg:$0x15]  }
0x6a: {  	[tilespmem:s11], [sflag:$0x1] =	stream.indirect.gather [hbm4b:s26+s8], $0x20, s9, s8, $0xb8;
	[tilespmem:$0xCC00] =	vst v63  }
0x6b: {  	s7 =	rddreg [dreg:$0x16];
	s6 =	simm.s32 $0x9C00;
	s0 =	smov.u32 s22  }
0x6c: {  	[tilespmem:s6], [sflag:$0x1] =	stream.indirect.gather [hbm4b:s0+s8], $0x20, s7, s8, $0xb8;
	[tilespmem:$0xCC00] =	vst v63  }
0x6d: {  	s31 =	simm.s32 $0x2C00;
	s9 =	rddreg [dreg:$0x17]  }
0x6e: {  	[tilespmem:s31], [sflag:$0x1] =	stream.indirect.gather [hbm4b:s25+s8], $0x20, s9, s8, $0xb8;
	[tilespmem:$0xCC00] =	vst v63  }
0x6f: {  	s5 =	simm.s32 $0x6C00;
	s7 =	rddreg [dreg:$0x18]  }
0x70: {  	[tilespmem:s5], [sflag:$0x1] =	stream.indirect.gather [hbm4b:s26+s8], $0x20, s7, s8, $0xb8;
	[tilespmem:$0xCC00] =	vst v63  }
0x71: {  	s30 =	simm.s32 $0xAC00;
	s9 =	rddreg [dreg:$0x19]  }
0x72: {  	[tilespmem:s30], [sflag:$0x1] =	stream.indirect.gather [hbm4b:s0+s8], $0x20, s9, s8, $0xb8;
	[tilespmem:$0xCC00] =	vst v63  }
0x73: {  	s13 =	simm.s32 $0x3C00;
	s7 =	rddreg [dreg:$0x1a]  }
0x74: {  	[tilespmem:s13], [sflag:$0x1] =	stream.indirect.gather [hbm4b:s25+s8], $0x20, s7, s8, $0xb8;
	[tilespmem:$0xCC00] =	vst v63  }
0x75: {  	s14 =	simm.s32 $0x7C00;
	s9 =	rddreg [dreg:$0x1b]  }
0x76: {  	[tilespmem:s14], [sflag:$0x1] =	stream.indirect.gather [hbm4b:s26+s8], $0x20, s9, s8, $0xb8;
	[tilespmem:$0xCC00] =	vst v63  }
0x77: {  	s21 =	simm.s32 $0xBC00;
	s7 =	rddreg [dreg:$0x1c]  }
0x78: {  	[tilespmem:s21], [sflag:$0x1] =	stream.indirect.gather [hbm4b:s0+s8], $0x20, s7, s8, $0xb8;
	[tilespmem:$0xCC00] =	vst v63  }
0x79: {  	_ =	swait.ge [sflag:s4], $0x1000  }
0x7a: {  	[sflag:s4] =	ssyncset.done $0x0  }
0x7b: {  	[sflag:s4] =	ssyncadd.s32 $0xFFFFF000  }
0x7c: {  	_ =	swait.ge [sflag:s4], $0x1000  }
0x7d: {  	[sflag:s4] =	ssyncset.done $0x0  }
0x7e: {  	[sflag:s4] =	ssyncadd.s32 $0xFFFFF000  }
0x7f: {  	_ =	swait.ge [sflag:s4], $0x1000  }
0x80: {  	[sflag:s4] =	ssyncset.done $0x0  }
0x81: {  	[sflag:s4] =	ssyncadd.s32 $0xFFFFF000  }
0x82: {  	_ =	swait.ge [sflag:s4], $0x1000  }
0x83: {  	[sflag:s4] =	ssyncset.done $0x0  }
0x84: {  	[sflag:s4] =	ssyncadd.s32 $0xFFFFF000  }
0x85: {  	_ =	swait.ge [sflag:s4], $0x1000  }
0x86: {  	[sflag:s4] =	ssyncset.done $0x0  }
0x87: {  	[sflag:s4] =	ssyncadd.s32 $0xFFFFF000  }
0x88: {  	_ =	swait.ge [sflag:s4], $0x1000  }
0x89: {  	[sflag:s4] =	ssyncset.done $0x0  }
0x8a: {  	[sflag:s4] =	ssyncadd.s32 $0xFFFFF000  }
0x8b: {  	_ =	swait.ge [sflag:s4], $0x1000  }
0x8c: {  	[sflag:s4] =	ssyncset.done $0x0  }
0x8d: {  	[sflag:s4] =	ssyncadd.s32 $0xFFFFF000  }
0x8e: {  	_ =	swait.ge [sflag:s4], $0x1000  }
0x8f: {  	[sflag:s4] =	ssyncset.done $0x0  }
0x90: {  	[sflag:s4] =	ssyncadd.s32 $0xFFFFF000  }
0x91: {  	_ =	swait.ge [sflag:s4], $0x1000  }
0x92: {  	[sflag:s4] =	ssyncset.done $0x0  }
0x93: {  	[sflag:s4] =	ssyncadd.s32 $0xFFFFF000  }
0x94: {  	_ =	swait.ge [sflag:s4], $0x1000  }
0x95: {  	[sflag:s4] =	ssyncset.done $0x0  }
0x96: {  	[sflag:s4] =	ssyncadd.s32 $0xFFFFF000  }
0x97: {  	_ =	swait.ge [sflag:s4], $0x1000  }
0x98: {  	[sflag:s4] =	ssyncset.done $0x0  }
0x99: {  	[sflag:s4] =	ssyncadd.s32 $0xFFFFF000  }
0x9a: {  	_ =	swait.ge [sflag:s4], $0x1000  }
0x9b: {  	[sflag:s4] =	ssyncset.done $0x0  }
0x9c: {  	s12 =	simm.s32 $0x600;
	[sflag:s4] =	ssyncadd.s32 $0xFFFFF000  }
0x9d: {  	[hbm4b:s29+s8] =	stream.indirect.scatter [tilespmem:s10], [sflag:$0x2], $0x20, s12, s8, $0xb8;
	[tilespmem:$0xCC00] =	vst v63  }
0x9e: {  	_ =	swait.ge [sflag:s3], $0x1000  }
0x9f: {  	[sflag:s3] =	ssyncset.done $0x0  }
0xa0: {  	s24 =	simm.s32 $0x800;
	s15 =	simm.s32 $0x4C00;
	[sflag:s3] =	ssyncadd.s32 $0xFFFFF000  }
0xa1: {  	[hbm4b:s29+s8] =	stream.indirect.scatter [tilespmem:s15], [sflag:$0x2], $0x20, s24, s8, $0xb8;
	[tilespmem:$0xCC00] =	vst v63  }
0xa2: {  	_ =	swait.ge [sflag:s3], $0x1000  }
0xa3: {  	[sflag:s3] =	ssyncset.done $0x0  }
0xa4: {  	s18 =	simm.s32 $0xA00;
	[sflag:s3] =	ssyncadd.s32 $0xFFFFF000  }
0xa5: {  	[hbm4b:s29+s8] =	stream.indirect.scatter [tilespmem:s1], [sflag:$0x2], $0x20, s18, s8, $0xb8;
	[tilespmem:$0xCC00] =	vst v63  }
0xa6: {  	_ =	swait.ge [sflag:s3], $0x1000  }
0xa7: {  	[sflag:s3] =	ssyncset.done $0x0  }
0xa8: {  	s17 =	simm.s32 $0x1C00;
	s20 =	simm.s32 $0x680;
	[sflag:s3] =	ssyncadd.s32 $0xFFFFF000  }
0xa9: {  	[hbm4b:s29+s8] =	stream.indirect.scatter [tilespmem:s17], [sflag:$0x2], $0x20, s20, s8, $0xb8;
	[tilespmem:$0xCC00] =	vst v63  }
0xaa: {  	_ =	swait.ge [sflag:s3], $0x1000  }
0xab: {  	[sflag:s3] =	ssyncset.done $0x0  }
0xac: {  	s16 =	simm.s32 $0x880;
	[sflag:s3] =	ssyncadd.s32 $0xFFFFF000  }
0xad: {  	[hbm4b:s29+s8] =	stream.indirect.scatter [tilespmem:s11], [sflag:$0x2], $0x20, s16, s8, $0xb8;
	[tilespmem:$0xCC00] =	vst v63  }
0xae: {  	_ =	swait.ge [sflag:s3], $0x1000  }
0xaf: {  	[sflag:s3] =	ssyncset.done $0x0  }
0xb0: {  	s23 =	simm.s32 $0xA80;
	[sflag:s3] =	ssyncadd.s32 $0xFFFFF000  }
0xb1: {  	[hbm4b:s29+s8] =	stream.indirect.scatter [tilespmem:s6], [sflag:$0x2], $0x20, s23, s8, $0xb8;
	[tilespmem:$0xCC00] =	vst v63  }
0xb2: {  	_ =	swait.ge [sflag:s3], $0x1000  }
0xb3: {  	[sflag:s3] =	ssyncset.done $0x0  }
0xb4: {  	s28 =	simm.s32 $0x700;
	[sflag:s3] =	ssyncadd.s32 $0xFFFFF000  }
0xb5: {  	[hbm4b:s29+s8] =	stream.indirect.scatter [tilespmem:s31], [sflag:$0x2], $0x20, s28, s8, $0xb8;
	[tilespmem:$0xCC00] =	vst v63  }
0xb6: {  	_ =	swait.ge [sflag:s3], $0x1000  }
0xb7: {  	[sflag:s3] =	ssyncset.done $0x0  }
0xb8: {  	s24 =	simm.s32 $0x900;
	[sflag:s3] =	ssyncadd.s32 $0xFFFFF000  }
0xb9: {  	[hbm4b:s29+s8] =	stream.indirect.scatter [tilespmem:s5], [sflag:$0x2], $0x20, s24, s8, $0xb8;
	[tilespmem:$0xCC00] =	vst v63  }
0xba: {  	_ =	swait.ge [sflag:s3], $0x1000  }
0xbb: {  	[sflag:s3] =	ssyncset.done $0x0  }
0xbc: {  	s28 =	simm.s32 $0xB00;
	[sflag:s3] =	ssyncadd.s32 $0xFFFFF000  }
0xbd: {  	[hbm4b:s29+s8] =	stream.indirect.scatter [tilespmem:s30], [sflag:$0x2], $0x20, s28, s8, $0xb8;
	[tilespmem:$0xCC00] =	vst v63  }
0xbe: {  	_ =	swait.ge [sflag:s3], $0x1000  }
0xbf: {  	[sflag:s3] =	ssyncset.done $0x0  }
0xc0: {  	s22 =	simm.s32 $0x780;
	[sflag:s3] =	ssyncadd.s32 $0xFFFFF000  }
0xc1: {  	[hbm4b:s29+s8] =	stream.indirect.scatter [tilespmem:s13], [sflag:$0x2], $0x20, s22, s8, $0xb8;
	[tilespmem:$0xCC00] =	vst v63  }
0xc2: {  	_ =	swait.ge [sflag:s3], $0x1000  }
0xc3: {  	[sflag:s3] =	ssyncset.done $0x0  }
0xc4: {  	s30 =	simm.s32 $0x980;
	[sflag:s3] =	ssyncadd.s32 $0xFFFFF000  }
0xc5: {  	[hbm4b:s29+s8] =	stream.indirect.scatter [tilespmem:s14], [sflag:$0x2], $0x20, s30, s8, $0xb8;
	[tilespmem:$0xCC00] =	vst v63  }
0xc6: {  	p1 =	sne.s32 s2, $0x1;
	_ =	swait.ge [sflag:s3], $0x1000  }
.Ltmp1:
0xc7: {  	[sflag:s3] =	ssyncset.done $0x0;
	(pc) =	sbr.rel @!p1 .LBB2_6-.Ltmp1, $4  }
0xc8: {  	s31 =	simm.s32 $0xB80;
	[sflag:s3] =	ssyncadd.s32 $0xFFFFF000  }
0xc9: {  	[hbm4b:s29+s8] =	stream.indirect.scatter [tilespmem:s21], [sflag:$0x2], $0x20, s31, s8, $0xb8;
	[tilespmem:$0xCC00] =	vst v63  }
0xca: {  	p0 =	por $0x1, $0x1;
	s7 =	sadd.s32 $0xFFFFFFFF, s2;
	_ =	swait.ge [sflag:s3], $0x1000  }
0xcb: {  	s10 =	simm.s32 $0x8C00;
	s9 =	rddreg [dreg:$0x6];
	[sflag:s3] =	ssyncset.done $0x0  }
0xcc: {  	s24 =	simm.s32 $0x680  }
0xcd: {  	s17 =	simm.s32 $0x880;
	s21 =	simm.s32 $0xA80;
	s15 =	simm.s32 $0x700  }
0xce: {  	s18 =	simm.s32 $0x900;
	s23 =	simm.s32 $0xB00;
	s22 =	simm.s32 $0x780  }
0xcf: {  	s16 =	simm.s32 $0x980;
	s28 =	simm.s32 $0xB80;
	s11 =	simm.s32 $0x4C00  }
0xd0: {  	s12 =	simm.s32 $0x1C00;
	s6 =	simm.s32 $0x9C00;
	s31 =	simm.s32 $0x2C00  }
0xd1: {  	s5 =	simm.s32 $0x6C00;
	s30 =	simm.s32 $0xAC00;
	s20 =	simm.s32 $0x600  }
.LBB2_3:
0xd2: {  	[sflag:s3] =	ssyncadd.s32 $0xFFFFF000  }
0xd3: {  	[tilespmem:s19], [sflag:$0x2] =	stream.linear.gather [hbm4b:s9+s19], $0x200, $0x38;
	[tilespmem:$0xCC00] =	vst v63  }
0xd4: {  	_ =	swait.ge [sflag:s3], $0x200  }
0xd5: {  	[sflag:s3] =	ssyncset.done $0x0  }
0xd6: {  	s14 =	simm.s32 $0x200;
	s13 =	rddreg [dreg:$0x7];
	[sflag:s3] =	ssyncadd.s32 $0xFFFFFE00  }
0xd7: {  	[tilespmem:s14], [sflag:$0x2] =	stream.linear.gather [hbm4b:s13+s19], $0x200, $0x38;
	[tilespmem:$0xCC00] =	vst v63  }
0xd8: {  	_ =	swait.ge [sflag:s3], $0x200  }
0xd9: {  	[sflag:s3] =	ssyncset.done $0x0  }
0xda: {  	s13 =	simm.s32 $0x400;
	s1 =	rddreg [dreg:$0x8];
	[sflag:s3] =	ssyncadd.s32 $0xFFFFFE00  }
0xdb: {  	[tilespmem:s13], [sflag:$0x2] =	stream.linear.gather [hbm4b:s1+s19], $0x200, $0x38;
	[tilespmem:$0xCC00] =	vst v63  }
0xdc: {  	_ =	swait.ge [sflag:s3], $0x200  }
0xdd: {  	[sflag:s3] =	ssyncset.done $0x0  }
0xde: {  	s1 =	simm.s32 $0x600;
	s2 =	rddreg [dreg:$0x9];
	[sflag:s3] =	ssyncadd.s32 $0xFFFFFE00  }
0xdf: {  	[tilespmem:s1], [sflag:$0x2] =	stream.linear.gather [hbm4b:s2+s19], $0x80, $0x38;
	[tilespmem:$0xCC00] =	vst v63  }
0xe0: {  	_ =	swait.ge [sflag:s3], $0x80  }
0xe1: {  	[sflag:s3] =	ssyncset.done $0x0  }
0xe2: {  	s2 =	simm.s32 $0x800;
	s1 =	rddreg [dreg:$0xa];
	[sflag:s3] =	ssyncadd.s32 $0xFFFFFF80  }
0xe3: {  	[tilespmem:s2], [sflag:$0x2] =	stream.linear.gather [hbm4b:s1+s19], $0x80, $0x38;
	[tilespmem:$0xCC00] =	vst v63  }
0xe4: {  	_ =	swait.ge [sflag:s3], $0x80  }
0xe5: {  	[sflag:s3] =	ssyncset.done $0x0  }
0xe6: {  	s2 =	simm.s32 $0xA00;
	s1 =	rddreg [dreg:$0xb];
	[sflag:s3] =	ssyncadd.s32 $0xFFFFFF80  }
0xe7: {  	[tilespmem:s2], [sflag:$0x2] =	stream.linear.gather [hbm4b:s1+s19], $0x80, $0x38;
	[tilespmem:$0xCC00] =	vst v63  }
0xe8: {  	_ =	swait.ge [sflag:s3], $0x80  }
0xe9: {  	[sflag:s3] =	ssyncset.done $0x0  }
0xea: {  	s2 =	rddreg [dreg:$0xc];
	[sflag:s3] =	ssyncadd.s32 $0xFFFFFF80  }
0xeb: {  	[tilespmem:s24], [sflag:$0x2] =	stream.linear.gather [hbm4b:s2+s19], $0x80, $0x38;
	[tilespmem:$0xCC00] =	vst v63  }
0xec: {  	_ =	swait.ge [sflag:s3], $0x80  }
0xed: {  	[sflag:s3] =	ssyncset.done $0x0  }
0xee: {  	s1 =	rddreg [dreg:$0xd];
	[sflag:s3] =	ssyncadd.s32 $0xFFFFFF80  }
0xef: {  	[tilespmem:s17], [sflag:$0x2] =	stream.linear.gather [hbm4b:s1+s19], $0x80, $0x38;
	[tilespmem:$0xCC00] =	vst v63  }
0xf0: {  	_ =	swait.ge [sflag:s3], $0x80  }
0xf1: {  	[sflag:s3] =	ssyncset.done $0x0  }
0xf2: {  	s2 =	rddreg [dreg:$0xe];
	[sflag:s3] =	ssyncadd.s32 $0xFFFFFF80  }
0xf3: {  	[tilespmem:s21], [sflag:$0x2] =	stream.linear.gather [hbm4b:s2+s19], $0x80, $0x38;
	[tilespmem:$0xCC00] =	vst v63  }
0xf4: {  	_ =	swait.ge [sflag:s3], $0x80  }
0xf5: {  	[sflag:s3] =	ssyncset.done $0x0  }
0xf6: {  	s1 =	rddreg [dreg:$0xf];
	[sflag:s3] =	ssyncadd.s32 $0xFFFFFF80  }
0xf7: {  	[tilespmem:s15], [sflag:$0x2] =	stream.linear.gather [hbm4b:s1+s19], $0x80, $0x38;
	[tilespmem:$0xCC00] =	vst v63  }
0xf8: {  	_ =	swait.ge [sflag:s3], $0x80  }
0xf9: {  	[sflag:s3] =	ssyncset.done $0x0  }
0xfa: {  	s2 =	rddreg [dreg:$0x10];
	[sflag:s3] =	ssyncadd.s32 $0xFFFFFF80  }
0xfb: {  	[tilespmem:s18], [sflag:$0x2] =	stream.linear.gather [hbm4b:s2+s19], $0x80, $0x38;
	[tilespmem:$0xCC00] =	vst v63  }
0xfc: {  	_ =	swait.ge [sflag:s3], $0x80  }
0xfd: {  	[sflag:s3] =	ssyncset.done $0x0  }
0xfe: {  	s1 =	rddreg [dreg:$0x11];
	[sflag:s3] =	ssyncadd.s32 $0xFFFFFF80  }
0xff: {  	[tilespmem:s23], [sflag:$0x2] =	stream.linear.gather [hbm4b:s1+s19], $0x80, $0x38;
	[tilespmem:$0xCC00] =	vst v63  }
0x100: {  	_ =	swait.ge [sflag:s3], $0x80  }
0x101: {  	[sflag:s3] =	ssyncset.done $0x0  }
0x102: {  	s2 =	rddreg [dreg:$0x12];
	[sflag:s3] =	ssyncadd.s32 $0xFFFFFF80  }
0x103: {  	[tilespmem:s22], [sflag:$0x2] =	stream.linear.gather [hbm4b:s2+s19], $0x80, $0x38;
	[tilespmem:$0xCC00] =	vst v63  }
0x104: {  	_ =	swait.ge [sflag:s3], $0x80  }
0x105: {  	[sflag:s3] =	ssyncset.done $0x0  }
0x106: {  	s1 =	rddreg [dreg:$0x13];
	[sflag:s3] =	ssyncadd.s32 $0xFFFFFF80  }
0x107: {  	[tilespmem:s16], [sflag:$0x2] =	stream.linear.gather [hbm4b:s1+s19], $0x80, $0x38;
	[tilespmem:$0xCC00] =	vst v63  }
0x108: {  	_ =	swait.ge [sflag:s3], $0x80  }
0x109: {  	[sflag:s3] =	ssyncset.done $0x0  }
0x10a: {  	s2 =	rddreg [dreg:$0x14];
	[sflag:s3] =	ssyncadd.s32 $0xFFFFFF80  }
0x10b: {  	[tilespmem:s28], [sflag:$0x2] =	stream.linear.gather [hbm4b:s2+s19], $0x80, $0x38;
	[tilespmem:$0xCC00] =	vst v63  }
0x10c: {  	_ =	swait.ge [sflag:s3], $0x80  }
0x10d: {  	[sflag:s3] =	ssyncset.done $0x0  }
0x10e: {  	s2 =	simm.s32 $0xC00;
	[sflag:s3] =	ssyncadd.s32 $0xFFFFFF80  }
0x10f: {  	[tilespmem:s2], [sflag:$0x1] =	stream.indirect.gather [hbm4b:s25+s8], $0x20, s19, s8, $0xb8;
	[tilespmem:$0xCC00] =	vst v63  }
0x110: {  	_ = 	snop  }
0x111: {  	[tilespmem:s11], [sflag:$0x1] =	stream.indirect.gather [hbm4b:s26+s8], $0x20, s14, s8, $0xb8;
	[tilespmem:$0xCC00] =	vst v63  }
0x112: {  	_ = 	snop  }
0x113: {  	[tilespmem:s10], [sflag:$0x1] =	stream.indirect.gather [hbm4b:s0+s8], $0x20, s13, s8, $0xb8;
	[tilespmem:$0xCC00] =	vst v63  }
0x114: {  	_ = 	snop  }
0x115: {  	[tilespmem:s12], [sflag:$0x1] =	stream.indirect.gather [hbm4b:s25+s8], $0x20, s8, s8, $0xb8;
	[tilespmem:$0xCC00] =	vst v63  }
0x116: {  	s10 =	rddreg [dreg:$0x15];
	s13 =	simm.s32 $0x5C00  }
0x117: {  	[tilespmem:s13], [sflag:$0x1] =	stream.indirect.gather [hbm4b:s26+s8], $0x20, s10, s8, $0xb8;
	[tilespmem:$0xCC00] =	vst v63  }
0x118: {  	s14 =	rddreg [dreg:$0x16]  }
0x119: {  	[tilespmem:s6], [sflag:$0x1] =	stream.indirect.gather [hbm4b:s0+s8], $0x20, s14, s8, $0xb8;
	[tilespmem:$0xCC00] =	vst v63  }
0x11a: {  	s1 =	rddreg [dreg:$0x17]  }
0x11b: {  	[tilespmem:s31], [sflag:$0x1] =	stream.indirect.gather [hbm4b:s25+s8], $0x20, s1, s8, $0xb8;
	[tilespmem:$0xCC00] =	vst v63  }
0x11c: {  	s14 =	rddreg [dreg:$0x18]  }
0x11d: {  	[tilespmem:s5], [sflag:$0x1] =	stream.indirect.gather [hbm4b:s26+s8], $0x20, s14, s8, $0xb8;
	[tilespmem:$0xCC00] =	vst v63  }
0x11e: {  	s1 =	rddreg [dreg:$0x19]  }
0x11f: {  	[tilespmem:s30], [sflag:$0x1] =	stream.indirect.gather [hbm4b:s0+s8], $0x20, s1, s8, $0xb8;
	[tilespmem:$0xCC00] =	vst v63  }
0x120: {  	s14 =	rddreg [dreg:$0x1a];
	s1 =	simm.s32 $0x3C00  }
0x121: {  	[tilespmem:s1], [sflag:$0x1] =	stream.indirect.gather [hbm4b:s25+s8], $0x20, s14, s8, $0xb8;
	[tilespmem:$0xCC00] =	vst v63  }
0x122: {  	s9 =	rddreg [dreg:$0x1b];
	s14 =	simm.s32 $0x7C00  }
0x123: {  	[tilespmem:s14], [sflag:$0x1] =	stream.indirect.gather [hbm4b:s26+s8], $0x20, s9, s8, $0xb8;
	[tilespmem:$0xCC00] =	vst v63  }
0x124: {  	s10 =	rddreg [dreg:$0x1c];
	s9 =	simm.s32 $0xBC00  }
0x125: {  	[tilespmem:s9], [sflag:$0x1] =	stream.indirect.gather [hbm4b:s0+s8], $0x20, s10, s8, $0xb8;
	[tilespmem:$0xCC00] =	vst v63  }
0x126: {  	_ =	swait.ge [sflag:s4], $0x1000  }
0x127: {  	[sflag:s4] =	ssyncset.done $0x0  }
0x128: {  	[sflag:s4] =	ssyncadd.s32 $0xFFFFF000  }
0x129: {  	_ =	swait.ge [sflag:s4], $0x1000  }
0x12a: {  	[sflag:s4] =	ssyncset.done $0x0  }
0x12b: {  	[sflag:s4] =	ssyncadd.s32 $0xFFFFF000  }
0x12c: {  	_ =	swait.ge [sflag:s4], $0x1000  }
0x12d: {  	[sflag:s4] =	ssyncset.done $0x0  }
0x12e: {  	[sflag:s4] =	ssyncadd.s32 $0xFFFFF000  }
0x12f: {  	_ =	swait.ge [sflag:s4], $0x1000  }
0x130: {  	[sflag:s4] =	ssyncset.done $0x0  }
0x131: {  	[sflag:s4] =	ssyncadd.s32 $0xFFFFF000  }
0x132: {  	_ =	swait.ge [sflag:s4], $0x1000  }
0x133: {  	[sflag:s4] =	ssyncset.done $0x0  }
0x134: {  	[sflag:s4] =	ssyncadd.s32 $0xFFFFF000  }
0x135: {  	_ =	swait.ge [sflag:s4], $0x1000  }
0x136: {  	[sflag:s4] =	ssyncset.done $0x0  }
0x137: {  	[sflag:s4] =	ssyncadd.s32 $0xFFFFF000  }
0x138: {  	_ =	swait.ge [sflag:s4], $0x1000  }
0x139: {  	[sflag:s4] =	ssyncset.done $0x0  }
0x13a: {  	[sflag:s4] =	ssyncadd.s32 $0xFFFFF000  }
0x13b: {  	_ =	swait.ge [sflag:s4], $0x1000  }
0x13c: {  	[sflag:s4] =	ssyncset.done $0x0  }
0x13d: {  	[sflag:s4] =	ssyncadd.s32 $0xFFFFF000  }
0x13e: {  	_ =	swait.ge [sflag:s4], $0x1000  }
0x13f: {  	[sflag:s4] =	ssyncset.done $0x0  }
0x140: {  	[sflag:s4] =	ssyncadd.s32 $0xFFFFF000  }
0x141: {  	_ =	swait.ge [sflag:s4], $0x1000  }
0x142: {  	[sflag:s4] =	ssyncset.done $0x0  }
0x143: {  	[sflag:s4] =	ssyncadd.s32 $0xFFFFF000  }
0x144: {  	_ =	swait.ge [sflag:s4], $0x1000  }
0x145: {  	[sflag:s4] =	ssyncset.done $0x0  }
0x146: {  	[sflag:s4] =	ssyncadd.s32 $0xFFFFF000  }
0x147: {  	_ =	swait.ge [sflag:s4], $0x1000  }
0x148: {  	[sflag:s4] =	ssyncset.done $0x0  }
0x149: {  	[sflag:s4] =	ssyncadd.s32 $0xFFFFF000  }
0x14a: {  	[hbm4b:s29+s8] =	stream.indirect.scatter [tilespmem:s2], [sflag:$0x2], $0x20, s20, s8, $0xb8;
	[tilespmem:$0xCC00] =	vst v63  }
0x14b: {  	_ =	swait.ge [sflag:s3], $0x1000  }
0x14c: {  	[sflag:s3] =	ssyncset.done $0x0  }
0x14d: {  	s2 =	simm.s32 $0x800;
	[sflag:s3] =	ssyncadd.s32 $0xFFFFF000  }
0x14e: {  	[hbm4b:s29+s8] =	stream.indirect.scatter [tilespmem:s11], [sflag:$0x2], $0x20, s2, s8, $0xb8;
	[tilespmem:$0xCC00] =	vst v63  }
0x14f: {  	_ =	swait.ge [sflag:s3], $0x1000  }
0x150: {  	[sflag:s3] =	ssyncset.done $0x0  }
0x151: {  	s10 =	simm.s32 $0x8C00;
	s2 =	simm.s32 $0xA00;
	[sflag:s3] =	ssyncadd.s32 $0xFFFFF000  }
0x152: {  	[hbm4b:s29+s8] =	stream.indirect.scatter [tilespmem:s10], [sflag:$0x2], $0x20, s2, s8, $0xb8;
	[tilespmem:$0xCC00] =	vst v63  }
0x153: {  	_ =	swait.ge [sflag:s3], $0x1000  }
0x154: {  	[sflag:s3] =	ssyncset.done $0x0  }
0x155: {  	[sflag:s3] =	ssyncadd.s32 $0xFFFFF000  }
0x156: {  	[hbm4b:s29+s8] =	stream.indirect.scatter [tilespmem:s12], [sflag:$0x2], $0x20, s24, s8, $0xb8;
	[tilespmem:$0xCC00] =	vst v63  }
0x157: {  	_ =	swait.ge [sflag:s3], $0x1000  }
0x158: {  	[sflag:s3] =	ssyncset.done $0x0  }
0x159: {  	[sflag:s3] =	ssyncadd.s32 $0xFFFFF000  }
0x15a: {  	[hbm4b:s29+s8] =	stream.indirect.scatter [tilespmem:s13], [sflag:$0x2], $0x20, s17, s8, $0xb8;
	[tilespmem:$0xCC00] =	vst v63  }
0x15b: {  	_ =	swait.ge [sflag:s3], $0x1000  }
0x15c: {  	[sflag:s3] =	ssyncset.done $0x0  }
0x15d: {  	[sflag:s3] =	ssyncadd.s32 $0xFFFFF000  }
0x15e: {  	[hbm4b:s29+s8] =	stream.indirect.scatter [tilespmem:s6], [sflag:$0x2], $0x20, s21, s8, $0xb8;
	[tilespmem:$0xCC00] =	vst v63  }
0x15f: {  	_ =	swait.ge [sflag:s3], $0x1000  }
0x160: {  	[sflag:s3] =	ssyncset.done $0x0  }
0x161: {  	[sflag:s3] =	ssyncadd.s32 $0xFFFFF000  }
0x162: {  	[hbm4b:s29+s8] =	stream.indirect.scatter [tilespmem:s31], [sflag:$0x2], $0x20, s15, s8, $0xb8;
	[tilespmem:$0xCC00] =	vst v63  }
0x163: {  	_ =	swait.ge [sflag:s3], $0x1000  }
0x164: {  	[sflag:s3] =	ssyncset.done $0x0  }
0x165: {  	[sflag:s3] =	ssyncadd.s32 $0xFFFFF000  }
0x166: {  	[hbm4b:s29+s8] =	stream.indirect.scatter [tilespmem:s5], [sflag:$0x2], $0x20, s18, s8, $0xb8;
	[tilespmem:$0xCC00] =	vst v63  }
0x167: {  	_ =	swait.ge [sflag:s3], $0x1000  }
0x168: {  	[sflag:s3] =	ssyncset.done $0x0  }
0x169: {  	[sflag:s3] =	ssyncadd.s32 $0xFFFFF000  }
0x16a: {  	[hbm4b:s29+s8] =	stream.indirect.scatter [tilespmem:s30], [sflag:$0x2], $0x20, s23, s8, $0xb8;
	[tilespmem:$0xCC00] =	vst v63  }
0x16b: {  	_ =	swait.ge [sflag:s3], $0x1000  }
0x16c: {  	[sflag:s3] =	ssyncset.done $0x0  }
0x16d: {  	[sflag:s3] =	ssyncadd.s32 $0xFFFFF000  }
0x16e: {  	[hbm4b:s29+s8] =	stream.indirect.scatter [tilespmem:s1], [sflag:$0x2], $0x20, s22, s8, $0xb8;
	[tilespmem:$0xCC00] =	vst v63  }
0x16f: {  	_ =	swait.ge [sflag:s3], $0x1000  }
0x170: {  	[sflag:s3] =	ssyncset.done $0x0  }
0x171: {  	[sflag:s3] =	ssyncadd.s32 $0xFFFFF000  }
0x172: {  	[hbm4b:s29+s8] =	stream.indirect.scatter [tilespmem:s14], [sflag:$0x2], $0x20, s16, s8, $0xb8;
	[tilespmem:$0xCC00] =	vst v63  }
0x173: {  	p1 =	sne.s32 s7, $0x1;
	_ =	swait.ge [sflag:s3], $0x1000  }
.Ltmp2:
0x174: {  	[sflag:s3] =	ssyncset.done $0x0;
	(pc) =	sbr.rel @p1 .LBB2_3-.Ltmp2, $4  }
0x175: {  	[sflag:s3] =	ssyncadd.s32 $0xFFFFF000  }
0x176: {  	[hbm4b:s29+s8] =	stream.indirect.scatter [tilespmem:s9], [sflag:$0x2], $0x20, s28, s8, $0xb8;
	[tilespmem:$0xCC00] =	vst v63  }
0x177: {  	_ =	swait.ge [sflag:s3], $0x1000  }
0x178: {  	s7 =	sadd.s32 $0xFFFFFFFF, s7;
	s9 =	rddreg [dreg:$0x6];
	[sflag:s3] =	ssyncset.done $0x0  }
0x179: {  	s13 =	simm.s32 $0xB00  }
0x17a: {  	s14 =	simm.s32 $0x900;
	s15 =	simm.s32 $0x700;
	s16 =	simm.s32 $0xA80  }
0x17b: {  	s17 =	simm.s32 $0x880;
	s18 =	simm.s32 $0x680;
	s20 =	simm.s32 $0xA00  }
0x17c: {  	s21 =	simm.s32 $0x800;
	s23 =	simm.s32 $0xBC00;
	s24 =	simm.s32 $0x600  }
0x17d: {  	s28 =	simm.s32 $0x7C00;
	s2 =	simm.s32 $0x3C00;
	s12 =	simm.s32 $0xAC00  }
0x17e: {  	s30 =	simm.s32 $0x6C00;
	s1 =	simm.s32 $0x2C00;
	s31 =	simm.s32 $0x9C00  }
0x17f: {  	s6 =	simm.s32 $0x4C00;
	s10 =	simm.s32 $0xC00;
	s22 =	smov.u32 s0  }
.LBB2_5:
0x180: {  	[sflag:s3] =	ssyncadd.s32 @p0 $0xFFFFF000  }
0x181: {  	[tilespmem:s19], [sflag:$0x2] =	stream.linear.gather [hbm4b:s9+s19], $0x200, $0x38;
	[tilespmem:$0xCC00] =	vst v63  }
0x182: {  	_ =	swait.ge [sflag:s3], $0x200  }
0x183: {  	[sflag:s3] =	ssyncset.done $0x0  }
0x184: {  	s5 =	simm.s32 $0x200;
	s7 =	rddreg [dreg:$0x7];
	[sflag:s3] =	ssyncadd.s32 $0xFFFFFE00  }
0x185: {  	[tilespmem:s5], [sflag:$0x2] =	stream.linear.gather [hbm4b:s7+s19], $0x200, $0x38;
	[tilespmem:$0xCC00] =	vst v63  }
0x186: {  	_ =	swait.ge [sflag:s3], $0x200  }
0x187: {  	[sflag:s3] =	ssyncset.done $0x0  }
0x188: {  	s11 =	simm.s32 $0x400;
	s9 =	rddreg [dreg:$0x8];
	[sflag:s3] =	ssyncadd.s32 $0xFFFFFE00  }
0x189: {  	[tilespmem:s11], [sflag:$0x2] =	stream.linear.gather [hbm4b:s9+s19], $0x200, $0x38;
	[tilespmem:$0xCC00] =	vst v63  }
0x18a: {  	_ =	swait.ge [sflag:s3], $0x200  }
0x18b: {  	[sflag:s3] =	ssyncset.done $0x0  }
0x18c: {  	s0 =	rddreg [dreg:$0x9];
	[sflag:s3] =	ssyncadd.s32 $0xFFFFFE00  }
0x18d: {  	[tilespmem:s24], [sflag:$0x2] =	stream.linear.gather [hbm4b:s0+s19], $0x80, $0x38;
	[tilespmem:$0xCC00] =	vst v63  }
0x18e: {  	_ =	swait.ge [sflag:s3], $0x80  }
0x18f: {  	[sflag:s3] =	ssyncset.done $0x0  }
0x190: {  	s9 =	rddreg [dreg:$0xa];
	[sflag:s3] =	ssyncadd.s32 $0xFFFFFF80  }
0x191: {  	[tilespmem:s21], [sflag:$0x2] =	stream.linear.gather [hbm4b:s9+s19], $0x80, $0x38;
	[tilespmem:$0xCC00] =	vst v63  }
0x192: {  	_ =	swait.ge [sflag:s3], $0x80  }
0x193: {  	[sflag:s3] =	ssyncset.done $0x0  }
0x194: {  	s0 =	rddreg [dreg:$0xb];
	[sflag:s3] =	ssyncadd.s32 $0xFFFFFF80  }
0x195: {  	[tilespmem:s20], [sflag:$0x2] =	stream.linear.gather [hbm4b:s0+s19], $0x80, $0x38;
	[tilespmem:$0xCC00] =	vst v63  }
0x196: {  	_ =	swait.ge [sflag:s3], $0x80  }
0x197: {  	[sflag:s3] =	ssyncset.done $0x0  }
0x198: {  	s9 =	rddreg [dreg:$0xc];
	[sflag:s3] =	ssyncadd.s32 $0xFFFFFF80  }
0x199: {  	[tilespmem:s18], [sflag:$0x2] =	stream.linear.gather [hbm4b:s9+s19], $0x80, $0x38;
	[tilespmem:$0xCC00] =	vst v63  }
0x19a: {  	_ =	swait.ge [sflag:s3], $0x80  }
0x19b: {  	[sflag:s3] =	ssyncset.done $0x0  }
0x19c: {  	s0 =	rddreg [dreg:$0xd];
	[sflag:s3] =	ssyncadd.s32 $0xFFFFFF80  }
0x19d: {  	[tilespmem:s17], [sflag:$0x2] =	stream.linear.gather [hbm4b:s0+s19], $0x80, $0x38;
	[tilespmem:$0xCC00] =	vst v63  }
0x19e: {  	_ =	swait.ge [sflag:s3], $0x80  }
0x19f: {  	[sflag:s3] =	ssyncset.done $0x0  }
0x1a0: {  	s9 =	rddreg [dreg:$0xe];
	[sflag:s3] =	ssyncadd.s32 $0xFFFFFF80  }
0x1a1: {  	[tilespmem:s16], [sflag:$0x2] =	stream.linear.gather [hbm4b:s9+s19], $0x80, $0x38;
	[tilespmem:$0xCC00] =	vst v63  }
0x1a2: {  	_ =	swait.ge [sflag:s3], $0x80  }
0x1a3: {  	[sflag:s3] =	ssyncset.done $0x0  }
0x1a4: {  	s0 =	rddreg [dreg:$0xf];
	[sflag:s3] =	ssyncadd.s32 $0xFFFFFF80  }
0x1a5: {  	[tilespmem:s15], [sflag:$0x2] =	stream.linear.gather [hbm4b:s0+s19], $0x80, $0x38;
	[tilespmem:$0xCC00] =	vst v63  }
0x1a6: {  	_ =	swait.ge [sflag:s3], $0x80  }
0x1a7: {  	[sflag:s3] =	ssyncset.done $0x0  }
0x1a8: {  	s9 =	rddreg [dreg:$0x10];
	[sflag:s3] =	ssyncadd.s32 $0xFFFFFF80  }
0x1a9: {  	[tilespmem:s14], [sflag:$0x2] =	stream.linear.gather [hbm4b:s9+s19], $0x80, $0x38;
	[tilespmem:$0xCC00] =	vst v63  }
0x1aa: {  	_ =	swait.ge [sflag:s3], $0x80  }
0x1ab: {  	[sflag:s3] =	ssyncset.done $0x0  }
0x1ac: {  	s0 =	rddreg [dreg:$0x11];
	[sflag:s3] =	ssyncadd.s32 $0xFFFFFF80  }
0x1ad: {  	[tilespmem:s13], [sflag:$0x2] =	stream.linear.gather [hbm4b:s0+s19], $0x80, $0x38;
	[tilespmem:$0xCC00] =	vst v63  }
0x1ae: {  	_ =	swait.ge [sflag:s3], $0x80  }
0x1af: {  	[sflag:s3] =	ssyncset.done $0x0  }
0x1b0: {  	s0 =	simm.s32 $0x780;
	s9 =	rddreg [dreg:$0x12];
	[sflag:s3] =	ssyncadd.s32 $0xFFFFFF80  }
0x1b1: {  	[tilespmem:s0], [sflag:$0x2] =	stream.linear.gather [hbm4b:s9+s19], $0x80, $0x38;
	[tilespmem:$0xCC00] =	vst v63  }
0x1b2: {  	_ =	swait.ge [sflag:s3], $0x80  }
0x1b3: {  	[sflag:s3] =	ssyncset.done $0x0  }
0x1b4: {  	s0 =	simm.s32 $0x980;
	s9 =	rddreg [dreg:$0x13];
	[sflag:s3] =	ssyncadd.s32 $0xFFFFFF80  }
0x1b5: {  	[tilespmem:s0], [sflag:$0x2] =	stream.linear.gather [hbm4b:s9+s19], $0x80, $0x38;
	[tilespmem:$0xCC00] =	vst v63  }
0x1b6: {  	_ =	swait.ge [sflag:s3], $0x80  }
0x1b7: {  	[sflag:s3] =	ssyncset.done $0x0  }
0x1b8: {  	s9 =	simm.s32 $0xB80;
	s7 =	rddreg [dreg:$0x14];
	[sflag:s3] =	ssyncadd.s32 $0xFFFFFF80  }
0x1b9: {  	[tilespmem:s9], [sflag:$0x2] =	stream.linear.gather [hbm4b:s7+s19], $0x80, $0x38;
	[tilespmem:$0xCC00] =	vst v63  }
0x1ba: {  	_ =	swait.ge [sflag:s3], $0x80  }
0x1bb: {  	[sflag:s3] =	ssyncset.done $0x0  }
0x1bc: {  	[sflag:s3] =	ssyncadd.s32 $0xFFFFFF80  }
0x1bd: {  	[tilespmem:s10], [sflag:$0x1] =	stream.indirect.gather [hbm4b:s25+s8], $0x20, s19, s8, $0xb8;
	[tilespmem:$0xCC00] =	vst v63  }
0x1be: {  	_ = 	snop  }
0x1bf: {  	[tilespmem:s6], [sflag:$0x1] =	stream.indirect.gather [hbm4b:s26+s8], $0x20, s5, s8, $0xb8;
	[tilespmem:$0xCC00] =	vst v63  }
0x1c0: {  	s10 =	simm.s32 $0x8C00  }
0x1c1: {  	[tilespmem:s10], [sflag:$0x1] =	stream.indirect.gather [hbm4b:s22+s8], $0x20, s11, s8, $0xb8;
	[tilespmem:$0xCC00] =	vst v63  }
0x1c2: {  	s19 =	simm.s32 $0x1C00  }
0x1c3: {  	[tilespmem:s19], [sflag:$0x1] =	stream.indirect.gather [hbm4b:s25+s8], $0x20, s8, s8, $0xb8;
	[tilespmem:$0xCC00] =	vst v63  }
0x1c4: {  	s7 =	simm.s32 $0x5C00;
	s5 =	rddreg [dreg:$0x15]  }
0x1c5: {  	[tilespmem:s7], [sflag:$0x1] =	stream.indirect.gather [hbm4b:s26+s8], $0x20, s5, s8, $0xb8;
	[tilespmem:$0xCC00] =	vst v63  }
0x1c6: {  	s6 =	rddreg [dreg:$0x16]  }
0x1c7: {  	[tilespmem:s31], [sflag:$0x1] =	stream.indirect.gather [hbm4b:s22+s8], $0x20, s6, s8, $0xb8;
	[tilespmem:$0xCC00] =	vst v63  }
0x1c8: {  	s5 =	rddreg [dreg:$0x17]  }
0x1c9: {  	[tilespmem:s1], [sflag:$0x1] =	stream.indirect.gather [hbm4b:s25+s8], $0x20, s5, s8, $0xb8;
	[tilespmem:$0xCC00] =	vst v63  }
0x1ca: {  	s6 =	rddreg [dreg:$0x18]  }
0x1cb: {  	[tilespmem:s30], [sflag:$0x1] =	stream.indirect.gather [hbm4b:s26+s8], $0x20, s6, s8, $0xb8;
	[tilespmem:$0xCC00] =	vst v63  }
0x1cc: {  	s5 =	rddreg [dreg:$0x19]  }
0x1cd: {  	[tilespmem:s12], [sflag:$0x1] =	stream.indirect.gather [hbm4b:s22+s8], $0x20, s5, s8, $0xb8;
	[tilespmem:$0xCC00] =	vst v63  }
0x1ce: {  	s6 =	rddreg [dreg:$0x1a]  }
0x1cf: {  	[tilespmem:s2], [sflag:$0x1] =	stream.indirect.gather [hbm4b:s25+s8], $0x20, s6, s8, $0xb8;
	[tilespmem:$0xCC00] =	vst v63  }
0x1d0: {  	s5 =	rddreg [dreg:$0x1b]  }
0x1d1: {  	[tilespmem:s28], [sflag:$0x1] =	stream.indirect.gather [hbm4b:s26+s8], $0x20, s5, s8, $0xb8;
	[tilespmem:$0xCC00] =	vst v63  }
0x1d2: {  	s25 =	rddreg [dreg:$0x1c]  }
0x1d3: {  	[tilespmem:s23], [sflag:$0x1] =	stream.indirect.gather [hbm4b:s22+s8], $0x20, s25, s8, $0xb8;
	[tilespmem:$0xCC00] =	vst v63  }
0x1d4: {  	_ =	swait.ge [sflag:s4], $0x1000  }
0x1d5: {  	[sflag:s4] =	ssyncset.done $0x0  }
0x1d6: {  	[sflag:s4] =	ssyncadd.s32 $0xFFFFF000  }
0x1d7: {  	_ =	swait.ge [sflag:s4], $0x1000  }
0x1d8: {  	[sflag:s4] =	ssyncset.done $0x0  }
0x1d9: {  	[sflag:s4] =	ssyncadd.s32 $0xFFFFF000  }
0x1da: {  	_ =	swait.ge [sflag:s4], $0x1000  }
0x1db: {  	[sflag:s4] =	ssyncset.done $0x0  }
0x1dc: {  	[sflag:s4] =	ssyncadd.s32 $0xFFFFF000  }
0x1dd: {  	_ =	swait.ge [sflag:s4], $0x1000  }
0x1de: {  	[sflag:s4] =	ssyncset.done $0x0  }
0x1df: {  	[sflag:s4] =	ssyncadd.s32 $0xFFFFF000  }
0x1e0: {  	_ =	swait.ge [sflag:s4], $0x1000  }
0x1e1: {  	[sflag:s4] =	ssyncset.done $0x0  }
0x1e2: {  	[sflag:s4] =	ssyncadd.s32 $0xFFFFF000  }
0x1e3: {  	_ =	swait.ge [sflag:s4], $0x1000  }
0x1e4: {  	[sflag:s4] =	ssyncset.done $0x0  }
0x1e5: {  	[sflag:s4] =	ssyncadd.s32 $0xFFFFF000  }
0x1e6: {  	_ =	swait.ge [sflag:s4], $0x1000  }
0x1e7: {  	[sflag:s4] =	ssyncset.done $0x0  }
0x1e8: {  	[sflag:s4] =	ssyncadd.s32 $0xFFFFF000  }
0x1e9: {  	_ =	swait.ge [sflag:s4], $0x1000  }
0x1ea: {  	[sflag:s4] =	ssyncset.done $0x0  }
0x1eb: {  	[sflag:s4] =	ssyncadd.s32 $0xFFFFF000  }
0x1ec: {  	_ =	swait.ge [sflag:s4], $0x1000  }
0x1ed: {  	[sflag:s4] =	ssyncset.done $0x0  }
0x1ee: {  	[sflag:s4] =	ssyncadd.s32 $0xFFFFF000  }
0x1ef: {  	_ =	swait.ge [sflag:s4], $0x1000  }
0x1f0: {  	[sflag:s4] =	ssyncset.done $0x0  }
0x1f1: {  	[sflag:s4] =	ssyncadd.s32 $0xFFFFF000  }
0x1f2: {  	_ =	swait.ge [sflag:s4], $0x1000  }
0x1f3: {  	[sflag:s4] =	ssyncset.done $0x0  }
0x1f4: {  	[sflag:s4] =	ssyncadd.s32 $0xFFFFF000  }
0x1f5: {  	_ =	swait.ge [sflag:s4], $0x1000  }
0x1f6: {  	[sflag:s4] =	ssyncset.done $0x0  }
0x1f7: {  	s9 =	simm.s32 $0xC00;
	[sflag:s4] =	ssyncadd.s32 $0xFFFFF000  }
0x1f8: {  	[hbm4b:s29+s8] =	stream.indirect.scatter [tilespmem:s9], [sflag:$0x2], $0x20, s24, s8, $0xb8;
	[tilespmem:$0xCC00] =	vst v63  }
0x1f9: {  	_ =	swait.ge [sflag:s3], $0x1000  }
0x1fa: {  	[sflag:s3] =	ssyncset.done $0x0  }
0x1fb: {  	s11 =	simm.s32 $0x4C00;
	[sflag:s3] =	ssyncadd.s32 $0xFFFFF000  }
0x1fc: {  	[hbm4b:s29+s8] =	stream.indirect.scatter [tilespmem:s11], [sflag:$0x2], $0x20, s21, s8, $0xb8;
	[tilespmem:$0xCC00] =	vst v63  }
0x1fd: {  	_ =	swait.ge [sflag:s3], $0x1000  }
0x1fe: {  	[sflag:s3] =	ssyncset.done $0x0  }
0x1ff: {  	[sflag:s3] =	ssyncadd.s32 $0xFFFFF000  }
0x200: {  	[hbm4b:s29+s8] =	stream.indirect.scatter [tilespmem:s10], [sflag:$0x2], $0x20, s20, s8, $0xb8;
	[tilespmem:$0xCC00] =	vst v63  }
0x201: {  	_ =	swait.ge [sflag:s3], $0x1000  }
0x202: {  	[sflag:s3] =	ssyncset.done $0x0  }
0x203: {  	[sflag:s3] =	ssyncadd.s32 $0xFFFFF000  }
0x204: {  	[hbm4b:s29+s8] =	stream.indirect.scatter [tilespmem:s19], [sflag:$0x2], $0x20, s18, s8, $0xb8;
	[tilespmem:$0xCC00] =	vst v63  }
0x205: {  	_ =	swait.ge [sflag:s3], $0x1000  }
0x206: {  	[sflag:s3] =	ssyncset.done $0x0  }
0x207: {  	[sflag:s3] =	ssyncadd.s32 $0xFFFFF000  }
0x208: {  	[hbm4b:s29+s8] =	stream.indirect.scatter [tilespmem:s7], [sflag:$0x2], $0x20, s17, s8, $0xb8;
	[tilespmem:$0xCC00] =	vst v63  }
0x209: {  	_ =	swait.ge [sflag:s3], $0x1000  }
0x20a: {  	[sflag:s3] =	ssyncset.done $0x0  }
0x20b: {  	[sflag:s3] =	ssyncadd.s32 $0xFFFFF000  }
0x20c: {  	[hbm4b:s29+s8] =	stream.indirect.scatter [tilespmem:s31], [sflag:$0x2], $0x20, s16, s8, $0xb8;
	[tilespmem:$0xCC00] =	vst v63  }
0x20d: {  	_ =	swait.ge [sflag:s3], $0x1000  }
0x20e: {  	[sflag:s3] =	ssyncset.done $0x0  }
0x20f: {  	[sflag:s3] =	ssyncadd.s32 $0xFFFFF000  }
0x210: {  	[hbm4b:s29+s8] =	stream.indirect.scatter [tilespmem:s1], [sflag:$0x2], $0x20, s15, s8, $0xb8;
	[tilespmem:$0xCC00] =	vst v63  }
0x211: {  	_ =	swait.ge [sflag:s3], $0x1000  }
0x212: {  	[sflag:s3] =	ssyncset.done $0x0  }
0x213: {  	[sflag:s3] =	ssyncadd.s32 $0xFFFFF000  }
0x214: {  	[hbm4b:s29+s8] =	stream.indirect.scatter [tilespmem:s30], [sflag:$0x2], $0x20, s14, s8, $0xb8;
	[tilespmem:$0xCC00] =	vst v63  }
0x215: {  	_ =	swait.ge [sflag:s3], $0x1000  }
0x216: {  	[sflag:s3] =	ssyncset.done $0x0  }
0x217: {  	[sflag:s3] =	ssyncadd.s32 $0xFFFFF000  }
0x218: {  	[hbm4b:s29+s8] =	stream.indirect.scatter [tilespmem:s12], [sflag:$0x2], $0x20, s13, s8, $0xb8;
	[tilespmem:$0xCC00] =	vst v63  }
0x219: {  	_ =	swait.ge [sflag:s3], $0x1000  }
0x21a: {  	[sflag:s3] =	ssyncset.done $0x0  }
0x21b: {  	s26 =	simm.s32 $0x780;
	[sflag:s3] =	ssyncadd.s32 $0xFFFFF000  }
0x21c: {  	[hbm4b:s29+s8] =	stream.indirect.scatter [tilespmem:s2], [sflag:$0x2], $0x20, s26, s8, $0xb8;
	[tilespmem:$0xCC00] =	vst v63  }
0x21d: {  	_ =	swait.ge [sflag:s3], $0x1000  }
0x21e: {  	[sflag:s3] =	ssyncset.done $0x0  }
0x21f: {  	[sflag:s3] =	ssyncadd.s32 $0xFFFFF000  }
0x220: {  	[hbm4b:s29+s8] =	stream.indirect.scatter [tilespmem:s28], [sflag:$0x2], $0x20, s0, s8, $0xb8;
	[tilespmem:$0xCC00] =	vst v63  }
0x221: {  	_ =	swait.ge [sflag:s3], $0x1000  }
0x222: {  	[sflag:s3] =	ssyncset.done $0x0  }
0x223: {  	s30 =	simm.s32 $0xB80;
	[sflag:s3] =	ssyncadd.s32 $0xFFFFF000  }
0x224: {  	[hbm4b:s29+s8] =	stream.indirect.scatter [tilespmem:s23], [sflag:$0x2], $0x20, s30, s8, $0xb8;
	[tilespmem:$0xCC00] =	vst v63  }
0x225: {  	_ =	swait.ge [sflag:s3], $0x1000  }
0x226: {  	[sflag:s3] =	ssyncset.done $0x0  }
0x227: {  	[sflag:s3] =	ssyncadd.s32 $0xFFFFF000  }
0x228: {  	_ =	sfence.sel $0x180000  }
0x229: {  	[bflag:$0x0] =	sbarrier.arrive $0xFFFF  }
0x22a: {  	_ =	strace $0x90000047  }
0x22b: {  	s31 =	stileid.u32;
	[bflag:$0x2] =	sbarrier.arrive $0xFFFF  }
0x22c: {  	p0 =	sne.s32 s31, $0x0;
	s0 =	rddreg [dreg:$0x5]  }
0x22d: {  	s0 =	sadd.s32 @!p0 $0x100000, s0  }
0x22e: {  	[sflag:s0] =	ssyncadd.tile.s32 @!p0 $0x1;
	_ =	shalt  }
.LBB2_6:
0x22f: {  	s13 =	simm.s32 $0xB00;
	s14 =	simm.s32 $0x900  }
0x230: {  	s15 =	simm.s32 $0x700;
	s16 =	simm.s32 $0xA80;
	s17 =	simm.s32 $0x880  }
.Ltmp3:
0x231: {  	s18 =	simm.s32 $0x680;
	s20 =	simm.s32 $0xA00;
	(pc) =	sbr.rel .LBB2_5-.Ltmp3, $4  }
0x232: {  	s21 =	simm.s32 $0x800;
	s23 =	simm.s32 $0xBC00;
	s24 =	simm.s32 $0x600  }
0x233: {  	s28 =	simm.s32 $0x7C00;
	s2 =	simm.s32 $0x3C00;
	s12 =	simm.s32 $0xAC00  }
0x234: {  	s30 =	simm.s32 $0x6C00;
	s1 =	simm.s32 $0x2C00;
	s31 =	simm.s32 $0x9C00  }
0x235: {  	s6 =	simm.s32 $0x4C00;
	s10 =	simm.s32 $0xC00;
	s22 =	smov.u32 s0  }
.Lfunc_end2:
_tile_overlayer_lowered:
.L_overlay_start_2:
0x236: {  	(tag) =	ssettag $0x2  }
0x237: {  	s0 =	rddreg [dreg:$0x0];
	s2 =	stileid.u32  }
0x238: {  	s1 =	rddreg [dreg:$0x1];
	p0 =	sne.s32 s2, $0x0  }
0x239: {  	s3 =	rddreg [dreg:$0x2];
	[bflag:$0x3] =	sbarrier.arrive $0xFFFF;
	s2 =	simm.s32 @!p0 $0x1C02  }
0x23a: {  	[timem:s3], [sflag:s2] =	dma.local @!p0 [hbm:s0], s1  }
0x23b: {  	s0 =	simm.s32 @!p0 $0x2  }
0x23c: {  	_ =	swait.ge @!p0 [sflag:s0], s1  }
0x23d: {  	s1 =	ssub.s32 @!p0 $0x0, s1;
	[sflag:s0] =	ssyncset.done @!p0 $0x0  }
0x23e: {  	[sflag:s0] =	ssyncadd.s32 @!p0 s1  }
0x23f: {  	[bflag:$0x3] =	sbarrier.arrive $0xFFFF  }
0x240: {  	_ =	shalt  }

</sc_bundles>
